<compile_context>
chip_gen: v7x
topology: tpu7x:2x2x1
jax: 0.10.2.dev20260603
libtpu: 0.0.44.dev20260713+nightly
codegen_flags: <defaults>
</compile_context>

<pallas_src>
import functools

import jax
import jax.numpy as jnp
from jax import lax
from jax.experimental import pallas as pl
from jax.experimental.pallas import tpu as pltpu
from jax.experimental.pallas import tpu_sc as plsc

R = 8
K = 2 * R + 1
NCORES = 2
NSUB = 16
NW = NCORES * NSUB
GRP = 4
NQROW = 2 * K * 80 // 8


def _sc_body(qtab_hbm, out_hbm, qtab_v, buf, sems):
    H = out_hbm.shape[2]
    W = out_hbm.shape[3]
    rpr = W // 16
    n_img = H * W
    per_w = n_img // NW
    ngroups = per_w // GRP

    wid = lax.axis_index("s") * NCORES + lax.axis_index("c")
    img_base = wid * per_w

    pltpu.sync_copy(qtab_hbm, qtab_v)

    z16 = jnp.zeros((16,), jnp.float32)

    def zero_row(a, carry):
        for i in range(2 * GRP):
            for c in range(rpr):
                buf[i, a, pl.ds(16 * c, 16)] = z16
        return carry

    lax.fori_loop(0, H, zero_row, 0)

    def rows_img(s, slot_base, img0, write):
        img = img0 + s
        h1 = img // W
        w1 = img - h1 * W
        a0 = h1 - R
        b0 = w1 - R
        d0 = pl.multiple_of(16 * jnp.clip(b0 // 16, 0, rpr - 1), 16)
        d1 = pl.multiple_of(16 * jnp.clip(b0 // 16 + 1, 0, rpr - 1), 16)
        kh_lo = jnp.maximum(0, -a0)
        kh_hi = jnp.minimum(K, H - a0)
        slot_img = slot_base + s
        qbase = w1 * (2 * K)

        def row(kh, carry):
            a = a0 + kh
            q0 = qbase + 2 * kh
            q1 = q0 + 1
            if write:
                buf[slot_img, a, pl.ds(d0, 16)] = qtab_v[
                    q0 // 8, pl.ds(pl.multiple_of(16 * lax.rem(q0, 8), 16), 16)
                ]
                buf[slot_img, a, pl.ds(d1, 16)] = qtab_v[
                    q1 // 8, pl.ds(pl.multiple_of(16 * lax.rem(q1, 8), 16), 16)
                ]
            else:
                buf[slot_img, a, pl.ds(d0, 16)] = z16
                buf[slot_img, a, pl.ds(d1, 16)] = z16
            return carry

        lax.fori_loop(kh_lo, kh_hi, row, 0)

    def group(g, carry):
        slot = lax.rem(g, 2)
        slot_base = slot * GRP
        img0 = img_base + g * GRP
        h1g = img0 // W
        w1g = img0 - h1g * W

        @pl.when(g >= 2)
        def _():
            pltpu.make_async_copy(
                buf.at[pl.ds(0, GRP)],
                out_hbm.at[0, 0, 0, pl.ds(0, GRP)],
                sems.at[slot],
            ).wait()

            def clear_one(s, c):
                rows_img(s, slot_base, img0 - 2 * GRP, False)
                return c

            lax.fori_loop(0, GRP, clear_one, 0)

        def write_one(s, c):
            rows_img(s, slot_base, img0, True)
            return c

        lax.fori_loop(0, GRP, write_one, 0)

        pltpu.make_async_copy(
            buf.at[pl.ds(slot_base, GRP)],
            out_hbm.at[0, 0, h1g, pl.ds(w1g, GRP)],
            sems.at[slot],
        ).start()
        return carry

    lax.fori_loop(0, ngroups, group, 0)

    for slot in range(2):
        pltpu.make_async_copy(
            buf.at[pl.ds(0, GRP)],
            out_hbm.at[0, 0, 0, pl.ds(0, GRP)],
            sems.at[slot],
        ).wait()


def kernel(feat, biases, all_h1s, all_w1s, all_h2s, all_w2s):
    H, W = feat.shape[-2], feat.shape[-1]
    w1 = jnp.arange(W, dtype=jnp.int32)
    b0 = w1 - R
    d0 = jnp.clip(b0 // 16, 0, W // 16 - 1)
    d1 = jnp.clip(b0 // 16 + 1, 0, W // 16 - 1)
    s01 = jnp.stack([16 * d0, 16 * d1], axis=1)
    kw = s01[:, :, None] + jnp.arange(16, dtype=jnp.int32) - b0[:, None, None]
    sel = (kw[..., None] == jnp.arange(K, dtype=jnp.int32)).astype(jnp.float32)
    qtab = jnp.einsum(
        "wclk,hk->whcl",
        sel,
        biases.astype(jnp.float32),
        preferred_element_type=jnp.float32,
        precision=lax.Precision.HIGHEST,
    ).reshape(NQROW, 128)

    sc_kernel = functools.partial(
        pl.kernel,
        out_type=jax.ShapeDtypeStruct((1, 1, H, W, H, W), jnp.float32),
        mesh=plsc.VectorSubcoreMesh(core_axis_name="c", subcore_axis_name="s"),
        scratch_types=[
            pltpu.VMEM((NQROW, 128), jnp.float32),
            pltpu.VMEM((2 * GRP, H, W), jnp.float32),
            pltpu.SemaphoreType.DMA((2,)),
        ],
        compiler_params=pltpu.CompilerParams(use_tc_tiling_on_sc=True),
    )(_sc_body)

    return sc_kernel(qtab)

# --- scband reference (transcript-rebuilt; emitter-appended) ---
"""Pipeline reference for scband-shifted-pos-bias-23845658427614 (READ-ONLY COPY).

The authoritative reference and input builder live on the scoring server;
editing this copy changes nothing except your own understanding.
"""

import jax, jax.numpy as jnp
import numpy as np

R = 8
MAXH, MAXW = 80, 80
K = 2 * R + 1


def _build_indices():
    h = jnp.arange(MAXH)
    w = jnp.arange(MAXW)
    k = jnp.arange(K)
    h1s = jnp.broadcast_to(h[:, None, None, None], (MAXH, MAXW, K, K)).astype(jnp.int32)
    w1s = jnp.broadcast_to(w[None, :, None, None], (MAXH, MAXW, K, K)).astype(jnp.int32)
    h2s = jnp.broadcast_to(h[:, None, None, None] + k[None, None, :, None], (MAXH, MAXW, K, K)).astype(jnp.int32)
    w2s = jnp.broadcast_to(w[None, :, None, None] + k[None, None, None, :], (MAXH, MAXW, K, K)).astype(jnp.int32)
    return h1s, w1s, h2s, w2s


def setup_inputs(seed: int = 0) -> dict:
    key = jax.random.key(seed)
    k1, k2 = jax.random.split(key)
    feat = jax.random.normal(k1, (2, 64, MAXH, MAXW), dtype=jnp.float32)
    biases = jax.random.normal(k2, (K, K), dtype=jnp.float32) * 0.02
    h1s, w1s, h2s, w2s = _build_indices()
    return {"feat": feat, "biases": biases, "all_h1s": h1s, "all_w1s": w1s, "all_h2s": h2s, "all_w2s": w2s}


def reference(feat, biases, all_h1s, all_w1s, all_h2s, all_w2s):
    H, W = feat.shape[-2], feat.shape[-1]
    padded = jnp.zeros((H, W, H + 2 * R, W + 2 * R), dtype=feat.dtype)
    h1 = all_h1s[:H, :W]
    w1 = all_w1s[:H, :W]
    h2 = all_h2s[:H, :W]
    w2 = all_w2s[:H, :W]
    vals = jnp.broadcast_to(biases, h1.shape).astype(feat.dtype)
    padded = padded.at[h1, w1, h2, w2].set(vals)
    pos_biases = padded[:, :, R:-R, R:-R]
    for _ in range(feat.ndim - 2):
        pos_biases = pos_biases[None]
    return pos_biases

if __name__ == "__main__":
    import jax
    _d = setup_inputs()
    print(jax.jit(kernel)(*tuple(_d.values())))

</pallas_src>

<mosaic_0001>
#map = affine_map<(d0, d1) -> (0, 0)>
#map1 = affine_map<(d0, d1) -> (0, 0, 0, 0, 0, 0)>
module attributes {stable_mosaic.version = 14 : i64} {
  func.func @_sc_body(%arg0: i32, %arg1: i32, %arg2: memref<340x128xf32, #tpu.memory_space<hbm>>, %arg3: memref<1x1x80x80x80x80xf32, #tpu.memory_space<hbm>>, %arg4: memref<340x128xf32, #tpu.memory_space<vmem>>, %arg5: memref<8x80x80xf32, #tpu.memory_space<vmem>>, %arg6: memref<2x!tpu.dma_semaphore, #tpu.memory_space<semaphore_mem>>) attributes {dimension_semantics = [#tpu.dimension_semantics<core_parallel>, #tpu.dimension_semantics<subcore_parallel>], iteration_bounds = array<i64: 2, 16>, scalar_prefetch = 0 : i64, scratch_operands = 3 : i64, tpu.core_type = #tpu.core_type<sc_vector_subcore>, window_params = [{transform_indices = #map}, {transform_indices = #map1}]} {
    %mul3A = arith.constant 2 : i32
    %mul3A_0 = arith.muli %arg1, %mul3A : i32
    %add3A = arith.addi %mul3A_0, %arg0 : i32
    %mul3A_1 = arith.constant 200 : i32
    %mul3A_2 = arith.muli %add3A, %mul3A_1 : i32
    "tpu.region"() ({
      %run_scoped3A = tpu.sem_alloc : memref<!tpu.dma_semaphore, #tpu.memory_space<semaphore_mem>>
      tpu.enqueue_dma source(%arg2 : memref<340x128xf32, #tpu.memory_space<hbm>>) target(%arg4 : memref<340x128xf32, #tpu.memory_space<vmem>>) target_semaphore(%run_scoped3A : memref<!tpu.dma_semaphore, #tpu.memory_space<semaphore_mem>>)
      tpu.wait_dma2 semaphore(%run_scoped3A : memref<!tpu.dma_semaphore, #tpu.memory_space<semaphore_mem>>) src(%arg2 : memref<340x128xf32, #tpu.memory_space<hbm>>) dst(%arg4 : memref<340x128xf32, #tpu.memory_space<vmem>>)
      tpu.yield
    }) : () -> ()
    %broadcast_in_dim3A = arith.constant 0.000000e+00 : f32
    %broadcast_in_dim3A_3 = vector.broadcast %broadcast_in_dim3A : f32 to vector<16xf32>
    %scan3A = arith.constant 0 : i32
    %scan3A_4 = arith.constant 0 : i32
    %scan3A_5 = arith.constant 80 : i32
    %scan3A_6 = arith.addi %scan3A_4, %scan3A_5 : i32
    %scan3A_7 = arith.constant 1 : i32
    scf.for %scan3A_62 = %scan3A_4 to %scan3A_6 step %scan3A_7  : i32 {
      %swap3A = arith.constant 0 : i32
      %swap3A_63 = arith.index_cast %swap3A : i32 to index
      %swap3A_64 = arith.index_cast %scan3A_62 : i32 to index
      %swap3A_65 = arith.constant 0 : index
      %swap3A_66 = tpu.vector_load %arg5[%swap3A_63, %swap3A_64, %swap3A_65] {strides = array<i32>} : memref<8x80x80xf32, #tpu.memory_space<vmem>>, vector<1x1x16xf32>,
      %swap3A_67 = vector.shape_cast %swap3A_66 : vector<1x1x16xf32> to vector<16xf32>
      %swap3A_68 = vector.shape_cast %broadcast_in_dim3A_3 : vector<16xf32> to vector<1x1x16xf32>
      tpu.vector_store %arg5[%swap3A_63, %swap3A_64, %swap3A_65], %swap3A_68 {strides = array<i32>} : memref<8x80x80xf32, #tpu.memory_space<vmem>>, vector<1x1x16xf32>,
      %swap3A_69 = arith.constant 0 : i32
      %swap3A_70 = arith.index_cast %swap3A_69 : i32 to index
      %swap3A_71 = arith.index_cast %scan3A_62 : i32 to index
      %swap3A_72 = arith.constant 16 : index
      %swap3A_73 = tpu.vector_load %arg5[%swap3A_70, %swap3A_71, %swap3A_72] {strides = array<i32>} : memref<8x80x80xf32, #tpu.memory_space<vmem>>, vector<1x1x16xf32>,
      %swap3A_74 = vector.shape_cast %swap3A_73 : vector<1x1x16xf32> to vector<16xf32>
      %swap3A_75 = vector.shape_cast %broadcast_in_dim3A_3 : vector<16xf32> to vector<1x1x16xf32>
      tpu.vector_store %arg5[%swap3A_70, %swap3A_71, %swap3A_72], %swap3A_75 {strides = array<i32>} : memref<8x80x80xf32, #tpu.memory_space<vmem>>, vector<1x1x16xf32>,
      %swap3A_76 = arith.constant 0 : i32
      %swap3A_77 = arith.index_cast %swap3A_76 : i32 to index
      %swap3A_78 = arith.index_cast %scan3A_62 : i32 to index
      %swap3A_79 = arith.constant 32 : index
      %swap3A_80 = tpu.vector_load %arg5[%swap3A_77, %swap3A_78, %swap3A_79] {strides = array<i32>} : memref<8x80x80xf32, #tpu.memory_space<vmem>>, vector<1x1x16xf32>,
      %swap3A_81 = vector.shape_cast %swap3A_80 : vector<1x1x16xf32> to vector<16xf32>
      %swap3A_82 = vector.shape_cast %broadcast_in_dim3A_3 : vector<16xf32> to vector<1x1x16xf32>
      tpu.vector_store %arg5[%swap3A_77, %swap3A_78, %swap3A_79], %swap3A_82 {strides = array<i32>} : memref<8x80x80xf32, #tpu.memory_space<vmem>>, vector<1x1x16xf32>,
      %swap3A_83 = arith.constant 0 : i32
      %swap3A_84 = arith.index_cast %swap3A_83 : i32 to index
      %swap3A_85 = arith.index_cast %scan3A_62 : i32 to index
      %swap3A_86 = arith.constant 48 : index
      %swap3A_87 = tpu.vector_load %arg5[%swap3A_84, %swap3A_85, %swap3A_86] {strides = array<i32>} : memref<8x80x80xf32, #tpu.memory_space<vmem>>, vector<1x1x16xf32>,
      %swap3A_88 = vector.shape_cast %swap3A_87 : vector<1x1x16xf32> to vector<16xf32>
      %swap3A_89 = vector.shape_cast %broadcast_in_dim3A_3 : vector<16xf32> to vector<1x1x16xf32>
      tpu.vector_store %arg5[%swap3A_84, %swap3A_85, %swap3A_86], %swap3A_89 {strides = array<i32>} : memref<8x80x80xf32, #tpu.memory_space<vmem>>, vector<1x1x16xf32>,
      %swap3A_90 = arith.constant 0 : i32
      %swap3A_91 = arith.index_cast %swap3A_90 : i32 to index
      %swap3A_92 = arith.index_cast %scan3A_62 : i32 to index
      %swap3A_93 = arith.constant 64 : index
      %swap3A_94 = tpu.vector_load %arg5[%swap3A_91, %swap3A_92, %swap3A_93] {strides = array<i32>} : memref<8x80x80xf32, #tpu.memory_space<vmem>>, vector<1x1x16xf32>,
      %swap3A_95 = vector.shape_cast %swap3A_94 : vector<1x1x16xf32> to vector<16xf32>
      %swap3A_96 = vector.shape_cast %broadcast_in_dim3A_3 : vector<16xf32> to vector<1x1x16xf32>
      tpu.vector_store %arg5[%swap3A_91, %swap3A_92, %swap3A_93], %swap3A_96 {strides = array<i32>} : memref<8x80x80xf32, #tpu.memory_space<vmem>>, vector<1x1x16xf32>,
      %swap3A_97 = arith.constant 1 : i32
      %swap3A_98 = arith.index_cast %swap3A_97 : i32 to index
      %swap3A_99 = arith.index_cast %scan3A_62 : i32 to index
      %swap3A_100 = arith.constant 0 : index
      %swap3A_101 = tpu.vector_load %arg5[%swap3A_98, %swap3A_99, %swap3A_100] {strides = array<i32>} : memref<8x80x80xf32, #tpu.memory_space<vmem>>, vector<1x1x16xf32>,
      %swap3A_102 = vector.shape_cast %swap3A_101 : vector<1x1x16xf32> to vector<16xf32>
      %swap3A_103 = vector.shape_cast %broadcast_in_dim3A_3 : vector<16xf32> to vector<1x1x16xf32>
      tpu.vector_store %arg5[%swap3A_98, %swap3A_99, %swap3A_100], %swap3A_103 {strides = array<i32>} : memref<8x80x80xf32, #tpu.memory_space<vmem>>, vector<1x1x16xf32>,
      %swap3A_104 = arith.constant 1 : i32
      %swap3A_105 = arith.index_cast %swap3A_104 : i32 to index
      %swap3A_106 = arith.index_cast %scan3A_62 : i32 to index
      %swap3A_107 = arith.constant 16 : index
      %swap3A_108 = tpu.vector_load %arg5[%swap3A_105, %swap3A_106, %swap3A_107] {strides = array<i32>} : memref<8x80x80xf32, #tpu.memory_space<vmem>>, vector<1x1x16xf32>,
      %swap3A_109 = vector.shape_cast %swap3A_108 : vector<1x1x16xf32> to vector<16xf32>
      %swap3A_110 = vector.shape_cast %broadcast_in_dim3A_3 : vector<16xf32> to vector<1x1x16xf32>
      tpu.vector_store %arg5[%swap3A_105, %swap3A_106, %swap3A_107], %swap3A_110 {strides = array<i32>} : memref<8x80x80xf32, #tpu.memory_space<vmem>>, vector<1x1x16xf32>,
      %swap3A_111 = arith.constant 1 : i32
      %swap3A_112 = arith.index_cast %swap3A_111 : i32 to index
      %swap3A_113 = arith.index_cast %scan3A_62 : i32 to index
      %swap3A_114 = arith.constant 32 : index
      %swap3A_115 = tpu.vector_load %arg5[%swap3A_112, %swap3A_113, %swap3A_114] {strides = array<i32>} : memref<8x80x80xf32, #tpu.memory_space<vmem>>, vector<1x1x16xf32>,
      %swap3A_116 = vector.shape_cast %swap3A_115 : vector<1x1x16xf32> to vector<16xf32>
      %swap3A_117 = vector.shape_cast %broadcast_in_dim3A_3 : vector<16xf32> to vector<1x1x16xf32>
      tpu.vector_store %arg5[%swap3A_112, %swap3A_113, %swap3A_114], %swap3A_117 {strides = array<i32>} : memref<8x80x80xf32, #tpu.memory_space<vmem>>, vector<1x1x16xf32>,
      %swap3A_118 = arith.constant 1 : i32
      %swap3A_119 = arith.index_cast %swap3A_118 : i32 to index
      %swap3A_120 = arith.index_cast %scan3A_62 : i32 to index
      %swap3A_121 = arith.constant 48 : index
      %swap3A_122 = tpu.vector_load %arg5[%swap3A_119, %swap3A_120, %swap3A_121] {strides = array<i32>} : memref<8x80x80xf32, #tpu.memory_space<vmem>>, vector<1x1x16xf32>,
      %swap3A_123 = vector.shape_cast %swap3A_122 : vector<1x1x16xf32> to vector<16xf32>
      %swap3A_124 = vector.shape_cast %broadcast_in_dim3A_3 : vector<16xf32> to vector<1x1x16xf32>
      tpu.vector_store %arg5[%swap3A_119, %swap3A_120, %swap3A_121], %swap3A_124 {strides = array<i32>} : memref<8x80x80xf32, #tpu.memory_space<vmem>>, vector<1x1x16xf32>,
      %swap3A_125 = arith.constant 1 : i32
      %swap3A_126 = arith.index_cast %swap3A_125 : i32 to index
      %swap3A_127 = arith.index_cast %scan3A_62 : i32 to index
      %swap3A_128 = arith.constant 64 : index
      %swap3A_129 = tpu.vector_load %arg5[%swap3A_126, %swap3A_127, %swap3A_128] {strides = array<i32>} : memref<8x80x80xf32, #tpu.memory_space<vmem>>, vector<1x1x16xf32>,
      %swap3A_130 = vector.shape_cast %swap3A_129 : vector<1x1x16xf32> to vector<16xf32>
      %swap3A_131 = vector.shape_cast %broadcast_in_dim3A_3 : vector<16xf32> to vector<1x1x16xf32>
      tpu.vector_store %arg5[%swap3A_126, %swap3A_127, %swap3A_128], %swap3A_131 {strides = array<i32>} : memref<8x80x80xf32, #tpu.memory_space<vmem>>, vector<1x1x16xf32>,
      %swap3A_132 = arith.constant 2 : i32
      %swap3A_133 = arith.index_cast %swap3A_132 : i32 to index
      %swap3A_134 = arith.index_cast %scan3A_62 : i32 to index
      %swap3A_135 = arith.constant 0 : index
      %swap3A_136 = tpu.vector_load %arg5[%swap3A_133, %swap3A_134, %swap3A_135] {strides = array<i32>} : memref<8x80x80xf32, #tpu.memory_space<vmem>>, vector<1x1x16xf32>,
      %swap3A_137 = vector.shape_cast %swap3A_136 : vector<1x1x16xf32> to vector<16xf32>
      %swap3A_138 = vector.shape_cast %broadcast_in_dim3A_3 : vector<16xf32> to vector<1x1x16xf32>
      tpu.vector_store %arg5[%swap3A_133, %swap3A_134, %swap3A_135], %swap3A_138 {strides = array<i32>} : memref<8x80x80xf32, #tpu.memory_space<vmem>>, vector<1x1x16xf32>,
      %swap3A_139 = arith.constant 2 : i32
      %swap3A_140 = arith.index_cast %swap3A_139 : i32 to index
      %swap3A_141 = arith.index_cast %scan3A_62 : i32 to index
      %swap3A_142 = arith.constant 16 : index
      %swap3A_143 = tpu.vector_load %arg5[%swap3A_140, %swap3A_141, %swap3A_142] {strides = array<i32>} : memref<8x80x80xf32, #tpu.memory_space<vmem>>, vector<1x1x16xf32>,
      %swap3A_144 = vector.shape_cast %swap3A_143 : vector<1x1x16xf32> to vector<16xf32>
      %swap3A_145 = vector.shape_cast %broadcast_in_dim3A_3 : vector<16xf32> to vector<1x1x16xf32>
      tpu.vector_store %arg5[%swap3A_140, %swap3A_141, %swap3A_142], %swap3A_145 {strides = array<i32>} : memref<8x80x80xf32, #tpu.memory_space<vmem>>, vector<1x1x16xf32>,
      %swap3A_146 = arith.constant 2 : i32
      %swap3A_147 = arith.index_cast %swap3A_146 : i32 to index
      %swap3A_148 = arith.index_cast %scan3A_62 : i32 to index
      %swap3A_149 = arith.constant 32 : index
      %swap3A_150 = tpu.vector_load %arg5[%swap3A_147, %swap3A_148, %swap3A_149] {strides = array<i32>} : memref<8x80x80xf32, #tpu.memory_space<vmem>>, vector<1x1x16xf32>,
      %swap3A_151 = vector.shape_cast %swap3A_150 : vector<1x1x16xf32> to vector<16xf32>
      %swap3A_152 = vector.shape_cast %broadcast_in_dim3A_3 : vector<16xf32> to vector<1x1x16xf32>
      tpu.vector_store %arg5[%swap3A_147, %swap3A_148, %swap3A_149], %swap3A_152 {strides = array<i32>} : memref<8x80x80xf32, #tpu.memory_space<vmem>>, vector<1x1x16xf32>,
      %swap3A_153 = arith.constant 2 : i32
      %swap3A_154 = arith.index_cast %swap3A_153 : i32 to index
      %swap3A_155 = arith.index_cast %scan3A_62 : i32 to index
      %swap3A_156 = arith.constant 48 : index
      %swap3A_157 = tpu.vector_load %arg5[%swap3A_154, %swap3A_155, %swap3A_156] {strides = array<i32>} : memref<8x80x80xf32, #tpu.memory_space<vmem>>, vector<1x1x16xf32>,
      %swap3A_158 = vector.shape_cast %swap3A_157 : vector<1x1x16xf32> to vector<16xf32>
      %swap3A_159 = vector.shape_cast %broadcast_in_dim3A_3 : vector<16xf32> to vector<1x1x16xf32>
      tpu.vector_store %arg5[%swap3A_154, %swap3A_155, %swap3A_156], %swap3A_159 {strides = array<i32>} : memref<8x80x80xf32, #tpu.memory_space<vmem>>, vector<1x1x16xf32>,
      %swap3A_160 = arith.constant 2 : i32
      %swap3A_161 = arith.index_cast %swap3A_160 : i32 to index
      %swap3A_162 = arith.index_cast %scan3A_62 : i32 to index
      %swap3A_163 = arith.constant 64 : index
      %swap3A_164 = tpu.vector_load %arg5[%swap3A_161, %swap3A_162, %swap3A_163] {strides = array<i32>} : memref<8x80x80xf32, #tpu.memory_space<vmem>>, vector<1x1x16xf32>,
      %swap3A_165 = vector.shape_cast %swap3A_164 : vector<1x1x16xf32> to vector<16xf32>
      %swap3A_166 = vector.shape_cast %broadcast_in_dim3A_3 : vector<16xf32> to vector<1x1x16xf32>
      tpu.vector_store %arg5[%swap3A_161, %swap3A_162, %swap3A_163], %swap3A_166 {strides = array<i32>} : memref<8x80x80xf32, #tpu.memory_space<vmem>>, vector<1x1x16xf32>,
      %swap3A_167 = arith.constant 3 : i32
      %swap3A_168 = arith.index_cast %swap3A_167 : i32 to index
      %swap3A_169 = arith.index_cast %scan3A_62 : i32 to index
      %swap3A_170 = arith.constant 0 : index
      %swap3A_171 = tpu.vector_load %arg5[%swap3A_168, %swap3A_169, %swap3A_170] {strides = array<i32>} : memref<8x80x80xf32, #tpu.memory_space<vmem>>, vector<1x1x16xf32>,
      %swap3A_172 = vector.shape_cast %swap3A_171 : vector<1x1x16xf32> to vector<16xf32>
      %swap3A_173 = vector.shape_cast %broadcast_in_dim3A_3 : vector<16xf32> to vector<1x1x16xf32>
      tpu.vector_store %arg5[%swap3A_168, %swap3A_169, %swap3A_170], %swap3A_173 {strides = array<i32>} : memref<8x80x80xf32, #tpu.memory_space<vmem>>, vector<1x1x16xf32>,
      %swap3A_174 = arith.constant 3 : i32
      %swap3A_175 = arith.index_cast %swap3A_174 : i32 to index
      %swap3A_176 = arith.index_cast %scan3A_62 : i32 to index
      %swap3A_177 = arith.constant 16 : index
      %swap3A_178 = tpu.vector_load %arg5[%swap3A_175, %swap3A_176, %swap3A_177] {strides = array<i32>} : memref<8x80x80xf32, #tpu.memory_space<vmem>>, vector<1x1x16xf32>,
      %swap3A_179 = vector.shape_cast %swap3A_178 : vector<1x1x16xf32> to vector<16xf32>
      %swap3A_180 = vector.shape_cast %broadcast_in_dim3A_3 : vector<16xf32> to vector<1x1x16xf32>
      tpu.vector_store %arg5[%swap3A_175, %swap3A_176, %swap3A_177], %swap3A_180 {strides = array<i32>} : memref<8x80x80xf32, #tpu.memory_space<vmem>>, vector<1x1x16xf32>,
      %swap3A_181 = arith.constant 3 : i32
      %swap3A_182 = arith.index_cast %swap3A_181 : i32 to index
      %swap3A_183 = arith.index_cast %scan3A_62 : i32 to index
      %swap3A_184 = arith.constant 32 : index
      %swap3A_185 = tpu.vector_load %arg5[%swap3A_182, %swap3A_183, %swap3A_184] {strides = array<i32>} : memref<8x80x80xf32, #tpu.memory_space<vmem>>, vector<1x1x16xf32>,
      %swap3A_186 = vector.shape_cast %swap3A_185 : vector<1x1x16xf32> to vector<16xf32>
      %swap3A_187 = vector.shape_cast %broadcast_in_dim3A_3 : vector<16xf32> to vector<1x1x16xf32>
      tpu.vector_store %arg5[%swap3A_182, %swap3A_183, %swap3A_184], %swap3A_187 {strides = array<i32>} : memref<8x80x80xf32, #tpu.memory_space<vmem>>, vector<1x1x16xf32>,
      %swap3A_188 = arith.constant 3 : i32
      %swap3A_189 = arith.index_cast %swap3A_188 : i32 to index
      %swap3A_190 = arith.index_cast %scan3A_62 : i32 to index
      %swap3A_191 = arith.constant 48 : index
      %swap3A_192 = tpu.vector_load %arg5[%swap3A_189, %swap3A_190, %swap3A_191] {strides = array<i32>} : memref<8x80x80xf32, #tpu.memory_space<vmem>>, vector<1x1x16xf32>,
      %swap3A_193 = vector.shape_cast %swap3A_192 : vector<1x1x16xf32> to vector<16xf32>
      %swap3A_194 = vector.shape_cast %broadcast_in_dim3A_3 : vector<16xf32> to vector<1x1x16xf32>
      tpu.vector_store %arg5[%swap3A_189, %swap3A_190, %swap3A_191], %swap3A_194 {strides = array<i32>} : memref<8x80x80xf32, #tpu.memory_space<vmem>>, vector<1x1x16xf32>,
      %swap3A_195 = arith.constant 3 : i32
      %swap3A_196 = arith.index_cast %swap3A_195 : i32 to index
      %swap3A_197 = arith.index_cast %scan3A_62 : i32 to index
      %swap3A_198 = arith.constant 64 : index
      %swap3A_199 = tpu.vector_load %arg5[%swap3A_196, %swap3A_197, %swap3A_198] {strides = array<i32>} : memref<8x80x80xf32, #tpu.memory_space<vmem>>, vector<1x1x16xf32>,
      %swap3A_200 = vector.shape_cast %swap3A_199 : vector<1x1x16xf32> to vector<16xf32>
      %swap3A_201 = vector.shape_cast %broadcast_in_dim3A_3 : vector<16xf32> to vector<1x1x16xf32>
      tpu.vector_store %arg5[%swap3A_196, %swap3A_197, %swap3A_198], %swap3A_201 {strides = array<i32>} : memref<8x80x80xf32, #tpu.memory_space<vmem>>, vector<1x1x16xf32>,
      %swap3A_202 = arith.constant 4 : i32
      %swap3A_203 = arith.index_cast %swap3A_202 : i32 to index
      %swap3A_204 = arith.index_cast %scan3A_62 : i32 to index
      %swap3A_205 = arith.constant 0 : index
      %swap3A_206 = tpu.vector_load %arg5[%swap3A_203, %swap3A_204, %swap3A_205] {strides = array<i32>} : memref<8x80x80xf32, #tpu.memory_space<vmem>>, vector<1x1x16xf32>,
      %swap3A_207 = vector.shape_cast %swap3A_206 : vector<1x1x16xf32> to vector<16xf32>
      %swap3A_208 = vector.shape_cast %broadcast_in_dim3A_3 : vector<16xf32> to vector<1x1x16xf32>
      tpu.vector_store %arg5[%swap3A_203, %swap3A_204, %swap3A_205], %swap3A_208 {strides = array<i32>} : memref<8x80x80xf32, #tpu.memory_space<vmem>>, vector<1x1x16xf32>,
      %swap3A_209 = arith.constant 4 : i32
      %swap3A_210 = arith.index_cast %swap3A_209 : i32 to index
      %swap3A_211 = arith.index_cast %scan3A_62 : i32 to index
      %swap3A_212 = arith.constant 16 : index
      %swap3A_213 = tpu.vector_load %arg5[%swap3A_210, %swap3A_211, %swap3A_212] {strides = array<i32>} : memref<8x80x80xf32, #tpu.memory_space<vmem>>, vector<1x1x16xf32>,
      %swap3A_214 = vector.shape_cast %swap3A_213 : vector<1x1x16xf32> to vector<16xf32>
      %swap3A_215 = vector.shape_cast %broadcast_in_dim3A_3 : vector<16xf32> to vector<1x1x16xf32>
      tpu.vector_store %arg5[%swap3A_210, %swap3A_211, %swap3A_212], %swap3A_215 {strides = array<i32>} : memref<8x80x80xf32, #tpu.memory_space<vmem>>, vector<1x1x16xf32>,
      %swap3A_216 = arith.constant 4 : i32
      %swap3A_217 = arith.index_cast %swap3A_216 : i32 to index
      %swap3A_218 = arith.index_cast %scan3A_62 : i32 to index
      %swap3A_219 = arith.constant 32 : index
      %swap3A_220 = tpu.vector_load %arg5[%swap3A_217, %swap3A_218, %swap3A_219] {strides = array<i32>} : memref<8x80x80xf32, #tpu.memory_space<vmem>>, vector<1x1x16xf32>,
      %swap3A_221 = vector.shape_cast %swap3A_220 : vector<1x1x16xf32> to vector<16xf32>
      %swap3A_222 = vector.shape_cast %broadcast_in_dim3A_3 : vector<16xf32> to vector<1x1x16xf32>
      tpu.vector_store %arg5[%swap3A_217, %swap3A_218, %swap3A_219], %swap3A_222 {strides = array<i32>} : memref<8x80x80xf32, #tpu.memory_space<vmem>>, vector<1x1x16xf32>,
      %swap3A_223 = arith.constant 4 : i32
      %swap3A_224 = arith.index_cast %swap3A_223 : i32 to index
      %swap3A_225 = arith.index_cast %scan3A_62 : i32 to index
      %swap3A_226 = arith.constant 48 : index
      %swap3A_227 = tpu.vector_load %arg5[%swap3A_224, %swap3A_225, %swap3A_226] {strides = array<i32>} : memref<8x80x80xf32, #tpu.memory_space<vmem>>, vector<1x1x16xf32>,
      %swap3A_228 = vector.shape_cast %swap3A_227 : vector<1x1x16xf32> to vector<16xf32>
      %swap3A_229 = vector.shape_cast %broadcast_in_dim3A_3 : vector<16xf32> to vector<1x1x16xf32>
      tpu.vector_store %arg5[%swap3A_224, %swap3A_225, %swap3A_226], %swap3A_229 {strides = array<i32>} : memref<8x80x80xf32, #tpu.memory_space<vmem>>, vector<1x1x16xf32>,
      %swap3A_230 = arith.constant 4 : i32
      %swap3A_231 = arith.index_cast %swap3A_230 : i32 to index
      %swap3A_232 = arith.index_cast %scan3A_62 : i32 to index
      %swap3A_233 = arith.constant 64 : index
      %swap3A_234 = tpu.vector_load %arg5[%swap3A_231, %swap3A_232, %swap3A_233] {strides = array<i32>} : memref<8x80x80xf32, #tpu.memory_space<vmem>>, vector<1x1x16xf32>,
      %swap3A_235 = vector.shape_cast %swap3A_234 : vector<1x1x16xf32> to vector<16xf32>
      %swap3A_236 = vector.shape_cast %broadcast_in_dim3A_3 : vector<16xf32> to vector<1x1x16xf32>
      tpu.vector_store %arg5[%swap3A_231, %swap3A_232, %swap3A_233], %swap3A_236 {strides = array<i32>} : memref<8x80x80xf32, #tpu.memory_space<vmem>>, vector<1x1x16xf32>,
      %swap3A_237 = arith.constant 5 : i32
      %swap3A_238 = arith.index_cast %swap3A_237 : i32 to index
      %swap3A_239 = arith.index_cast %scan3A_62 : i32 to index
      %swap3A_240 = arith.constant 0 : index
      %swap3A_241 = tpu.vector_load %arg5[%swap3A_238, %swap3A_239, %swap3A_240] {strides = array<i32>} : memref<8x80x80xf32, #tpu.memory_space<vmem>>, vector<1x1x16xf32>,
      %swap3A_242 = vector.shape_cast %swap3A_241 : vector<1x1x16xf32> to vector<16xf32>
      %swap3A_243 = vector.shape_cast %broadcast_in_dim3A_3 : vector<16xf32> to vector<1x1x16xf32>
      tpu.vector_store %arg5[%swap3A_238, %swap3A_239, %swap3A_240], %swap3A_243 {strides = array<i32>} : memref<8x80x80xf32, #tpu.memory_space<vmem>>, vector<1x1x16xf32>,
      %swap3A_244 = arith.constant 5 : i32
      %swap3A_245 = arith.index_cast %swap3A_244 : i32 to index
      %swap3A_246 = arith.index_cast %scan3A_62 : i32 to index
      %swap3A_247 = arith.constant 16 : index
      %swap3A_248 = tpu.vector_load %arg5[%swap3A_245, %swap3A_246, %swap3A_247] {strides = array<i32>} : memref<8x80x80xf32, #tpu.memory_space<vmem>>, vector<1x1x16xf32>,
      %swap3A_249 = vector.shape_cast %swap3A_248 : vector<1x1x16xf32> to vector<16xf32>
      %swap3A_250 = vector.shape_cast %broadcast_in_dim3A_3 : vector<16xf32> to vector<1x1x16xf32>
      tpu.vector_store %arg5[%swap3A_245, %swap3A_246, %swap3A_247], %swap3A_250 {strides = array<i32>} : memref<8x80x80xf32, #tpu.memory_space<vmem>>, vector<1x1x16xf32>,
      %swap3A_251 = arith.constant 5 : i32
      %swap3A_252 = arith.index_cast %swap3A_251 : i32 to index
      %swap3A_253 = arith.index_cast %scan3A_62 : i32 to index
      %swap3A_254 = arith.constant 32 : index
      %swap3A_255 = tpu.vector_load %arg5[%swap3A_252, %swap3A_253, %swap3A_254] {strides = array<i32>} : memref<8x80x80xf32, #tpu.memory_space<vmem>>, vector<1x1x16xf32>,
      %swap3A_256 = vector.shape_cast %swap3A_255 : vector<1x1x16xf32> to vector<16xf32>
      %swap3A_257 = vector.shape_cast %broadcast_in_dim3A_3 : vector<16xf32> to vector<1x1x16xf32>
      tpu.vector_store %arg5[%swap3A_252, %swap3A_253, %swap3A_254], %swap3A_257 {strides = array<i32>} : memref<8x80x80xf32, #tpu.memory_space<vmem>>, vector<1x1x16xf32>,
      %swap3A_258 = arith.constant 5 : i32
      %swap3A_259 = arith.index_cast %swap3A_258 : i32 to index
      %swap3A_260 = arith.index_cast %scan3A_62 : i32 to index
      %swap3A_261 = arith.constant 48 : index
      %swap3A_262 = tpu.vector_load %arg5[%swap3A_259, %swap3A_260, %swap3A_261] {strides = array<i32>} : memref<8x80x80xf32, #tpu.memory_space<vmem>>, vector<1x1x16xf32>,
      %swap3A_263 = vector.shape_cast %swap3A_262 : vector<1x1x16xf32> to vector<16xf32>
      %swap3A_264 = vector.shape_cast %broadcast_in_dim3A_3 : vector<16xf32> to vector<1x1x16xf32>
      tpu.vector_store %arg5[%swap3A_259, %swap3A_260, %swap3A_261], %swap3A_264 {strides = array<i32>} : memref<8x80x80xf32, #tpu.memory_space<vmem>>, vector<1x1x16xf32>,
      %swap3A_265 = arith.constant 5 : i32
      %swap3A_266 = arith.index_cast %swap3A_265 : i32 to index
      %swap3A_267 = arith.index_cast %scan3A_62 : i32 to index
      %swap3A_268 = arith.constant 64 : index
      %swap3A_269 = tpu.vector_load %arg5[%swap3A_266, %swap3A_267, %swap3A_268] {strides = array<i32>} : memref<8x80x80xf32, #tpu.memory_space<vmem>>, vector<1x1x16xf32>,
      %swap3A_270 = vector.shape_cast %swap3A_269 : vector<1x1x16xf32> to vector<16xf32>
      %swap3A_271 = vector.shape_cast %broadcast_in_dim3A_3 : vector<16xf32> to vector<1x1x16xf32>
      tpu.vector_store %arg5[%swap3A_266, %swap3A_267, %swap3A_268], %swap3A_271 {strides = array<i32>} : memref<8x80x80xf32, #tpu.memory_space<vmem>>, vector<1x1x16xf32>,
      %swap3A_272 = arith.constant 6 : i32
      %swap3A_273 = arith.index_cast %swap3A_272 : i32 to index
      %swap3A_274 = arith.index_cast %scan3A_62 : i32 to index
      %swap3A_275 = arith.constant 0 : index
      %swap3A_276 = tpu.vector_load %arg5[%swap3A_273, %swap3A_274, %swap3A_275] {strides = array<i32>} : memref<8x80x80xf32, #tpu.memory_space<vmem>>, vector<1x1x16xf32>,
      %swap3A_277 = vector.shape_cast %swap3A_276 : vector<1x1x16xf32> to vector<16xf32>
      %swap3A_278 = vector.shape_cast %broadcast_in_dim3A_3 : vector<16xf32> to vector<1x1x16xf32>
      tpu.vector_store %arg5[%swap3A_273, %swap3A_274, %swap3A_275], %swap3A_278 {strides = array<i32>} : memref<8x80x80xf32, #tpu.memory_space<vmem>>, vector<1x1x16xf32>,
      %swap3A_279 = arith.constant 6 : i32
      %swap3A_280 = arith.index_cast %swap3A_279 : i32 to index
      %swap3A_281 = arith.index_cast %scan3A_62 : i32 to index
      %swap3A_282 = arith.constant 16 : index
      %swap3A_283 = tpu.vector_load %arg5[%swap3A_280, %swap3A_281, %swap3A_282] {strides = array<i32>} : memref<8x80x80xf32, #tpu.memory_space<vmem>>, vector<1x1x16xf32>,
      %swap3A_284 = vector.shape_cast %swap3A_283 : vector<1x1x16xf32> to vector<16xf32>
      %swap3A_285 = vector.shape_cast %broadcast_in_dim3A_3 : vector<16xf32> to vector<1x1x16xf32>
      tpu.vector_store %arg5[%swap3A_280, %swap3A_281, %swap3A_282], %swap3A_285 {strides = array<i32>} : memref<8x80x80xf32, #tpu.memory_space<vmem>>, vector<1x1x16xf32>,
      %swap3A_286 = arith.constant 6 : i32
      %swap3A_287 = arith.index_cast %swap3A_286 : i32 to index
      %swap3A_288 = arith.index_cast %scan3A_62 : i32 to index
      %swap3A_289 = arith.constant 32 : index
      %swap3A_290 = tpu.vector_load %arg5[%swap3A_287, %swap3A_288, %swap3A_289] {strides = array<i32>} : memref<8x80x80xf32, #tpu.memory_space<vmem>>, vector<1x1x16xf32>,
      %swap3A_291 = vector.shape_cast %swap3A_290 : vector<1x1x16xf32> to vector<16xf32>
      %swap3A_292 = vector.shape_cast %broadcast_in_dim3A_3 : vector<16xf32> to vector<1x1x16xf32>
      tpu.vector_store %arg5[%swap3A_287, %swap3A_288, %swap3A_289], %swap3A_292 {strides = array<i32>} : memref<8x80x80xf32, #tpu.memory_space<vmem>>, vector<1x1x16xf32>,
      %swap3A_293 = arith.constant 6 : i32
      %swap3A_294 = arith.index_cast %swap3A_293 : i32 to index
      %swap3A_295 = arith.index_cast %scan3A_62 : i32 to index
      %swap3A_296 = arith.constant 48 : index
      %swap3A_297 = tpu.vector_load %arg5[%swap3A_294, %swap3A_295, %swap3A_296] {strides = array<i32>} : memref<8x80x80xf32, #tpu.memory_space<vmem>>, vector<1x1x16xf32>,
      %swap3A_298 = vector.shape_cast %swap3A_297 : vector<1x1x16xf32> to vector<16xf32>
      %swap3A_299 = vector.shape_cast %broadcast_in_dim3A_3 : vector<16xf32> to vector<1x1x16xf32>
      tpu.vector_store %arg5[%swap3A_294, %swap3A_295, %swap3A_296], %swap3A_299 {strides = array<i32>} : memref<8x80x80xf32, #tpu.memory_space<vmem>>, vector<1x1x16xf32>,
      %swap3A_300 = arith.constant 6 : i32
      %swap3A_301 = arith.index_cast %swap3A_300 : i32 to index
      %swap3A_302 = arith.index_cast %scan3A_62 : i32 to index
      %swap3A_303 = arith.constant 64 : index
      %swap3A_304 = tpu.vector_load %arg5[%swap3A_301, %swap3A_302, %swap3A_303] {strides = array<i32>} : memref<8x80x80xf32, #tpu.memory_space<vmem>>, vector<1x1x16xf32>,
      %swap3A_305 = vector.shape_cast %swap3A_304 : vector<1x1x16xf32> to vector<16xf32>
      %swap3A_306 = vector.shape_cast %broadcast_in_dim3A_3 : vector<16xf32> to vector<1x1x16xf32>
      tpu.vector_store %arg5[%swap3A_301, %swap3A_302, %swap3A_303], %swap3A_306 {strides = array<i32>} : memref<8x80x80xf32, #tpu.memory_space<vmem>>, vector<1x1x16xf32>,
      %swap3A_307 = arith.constant 7 : i32
      %swap3A_308 = arith.index_cast %swap3A_307 : i32 to index
      %swap3A_309 = arith.index_cast %scan3A_62 : i32 to index
      %swap3A_310 = arith.constant 0 : index
      %swap3A_311 = tpu.vector_load %arg5[%swap3A_308, %swap3A_309, %swap3A_310] {strides = array<i32>} : memref<8x80x80xf32, #tpu.memory_space<vmem>>, vector<1x1x16xf32>,
      %swap3A_312 = vector.shape_cast %swap3A_311 : vector<1x1x16xf32> to vector<16xf32>
      %swap3A_313 = vector.shape_cast %broadcast_in_dim3A_3 : vector<16xf32> to vector<1x1x16xf32>
      tpu.vector_store %arg5[%swap3A_308, %swap3A_309, %swap3A_310], %swap3A_313 {strides = array<i32>} : memref<8x80x80xf32, #tpu.memory_space<vmem>>, vector<1x1x16xf32>,
      %swap3A_314 = arith.constant 7 : i32
      %swap3A_315 = arith.index_cast %swap3A_314 : i32 to index
      %swap3A_316 = arith.index_cast %scan3A_62 : i32 to index
      %swap3A_317 = arith.constant 16 : index
      %swap3A_318 = tpu.vector_load %arg5[%swap3A_315, %swap3A_316, %swap3A_317] {strides = array<i32>} : memref<8x80x80xf32, #tpu.memory_space<vmem>>, vector<1x1x16xf32>,
      %swap3A_319 = vector.shape_cast %swap3A_318 : vector<1x1x16xf32> to vector<16xf32>
      %swap3A_320 = vector.shape_cast %broadcast_in_dim3A_3 : vector<16xf32> to vector<1x1x16xf32>
      tpu.vector_store %arg5[%swap3A_315, %swap3A_316, %swap3A_317], %swap3A_320 {strides = array<i32>} : memref<8x80x80xf32, #tpu.memory_space<vmem>>, vector<1x1x16xf32>,
      %swap3A_321 = arith.constant 7 : i32
      %swap3A_322 = arith.index_cast %swap3A_321 : i32 to index
      %swap3A_323 = arith.index_cast %scan3A_62 : i32 to index
      %swap3A_324 = arith.constant 32 : index
      %swap3A_325 = tpu.vector_load %arg5[%swap3A_322, %swap3A_323, %swap3A_324] {strides = array<i32>} : memref<8x80x80xf32, #tpu.memory_space<vmem>>, vector<1x1x16xf32>,
      %swap3A_326 = vector.shape_cast %swap3A_325 : vector<1x1x16xf32> to vector<16xf32>
      %swap3A_327 = vector.shape_cast %broadcast_in_dim3A_3 : vector<16xf32> to vector<1x1x16xf32>
      tpu.vector_store %arg5[%swap3A_322, %swap3A_323, %swap3A_324], %swap3A_327 {strides = array<i32>} : memref<8x80x80xf32, #tpu.memory_space<vmem>>, vector<1x1x16xf32>,
      %swap3A_328 = arith.constant 7 : i32
      %swap3A_329 = arith.index_cast %swap3A_328 : i32 to index
      %swap3A_330 = arith.index_cast %scan3A_62 : i32 to index
      %swap3A_331 = arith.constant 48 : index
      %swap3A_332 = tpu.vector_load %arg5[%swap3A_329, %swap3A_330, %swap3A_331] {strides = array<i32>} : memref<8x80x80xf32, #tpu.memory_space<vmem>>, vector<1x1x16xf32>,
      %swap3A_333 = vector.shape_cast %swap3A_332 : vector<1x1x16xf32> to vector<16xf32>
      %swap3A_334 = vector.shape_cast %broadcast_in_dim3A_3 : vector<16xf32> to vector<1x1x16xf32>
      tpu.vector_store %arg5[%swap3A_329, %swap3A_330, %swap3A_331], %swap3A_334 {strides = array<i32>} : memref<8x80x80xf32, #tpu.memory_space<vmem>>, vector<1x1x16xf32>,
      %swap3A_335 = arith.constant 7 : i32
      %swap3A_336 = arith.index_cast %swap3A_335 : i32 to index
      %swap3A_337 = arith.index_cast %scan3A_62 : i32 to index
      %swap3A_338 = arith.constant 64 : index
      %swap3A_339 = tpu.vector_load %arg5[%swap3A_336, %swap3A_337, %swap3A_338] {strides = array<i32>} : memref<8x80x80xf32, #tpu.memory_space<vmem>>, vector<1x1x16xf32>,
      %swap3A_340 = vector.shape_cast %swap3A_339 : vector<1x1x16xf32> to vector<16xf32>
      %swap3A_341 = vector.shape_cast %broadcast_in_dim3A_3 : vector<16xf32> to vector<1x1x16xf32>
      tpu.vector_store %arg5[%swap3A_336, %swap3A_337, %swap3A_338], %swap3A_341 {strides = array<i32>} : memref<8x80x80xf32, #tpu.memory_space<vmem>>, vector<1x1x16xf32>,
    }
    %scan3A_8 = arith.constant 80 : i32
    %scan3A_9 = arith.constant 0 : i32
    %scan3A_10 = arith.constant 0 : i32
    %scan3A_11 = arith.constant 50 : i32
    %scan3A_12 = arith.addi %scan3A_10, %scan3A_11 : i32
    %scan3A_13 = arith.constant 1 : i32
    scf.for %scan3A_62 = %scan3A_10 to %scan3A_12 step %scan3A_13  : i32 {
      %rem3A = arith.constant 2 : i32
      %rem3A_63 = arith.remsi %scan3A_62, %rem3A : i32
      %mul3A_64 = arith.constant 4 : i32
      %mul3A_65 = arith.muli %rem3A_63, %mul3A_64 : i32
      %mul3A_66 = arith.constant 4 : i32
      %mul3A_67 = arith.muli %scan3A_62, %mul3A_66 : i32
      %add3A_68 = arith.addi %mul3A_2, %mul3A_67 : i32
      %jit3A = arith.constant 80 : i32
      %div3A = arith.divsi %add3A_68, %jit3A : i32
      %sign3A = arith.constant 0 : i32
      %sign3A_69 = arith.cmpi sgt, %add3A_68, %sign3A : i32
      %sign3A_70 = arith.extui %sign3A_69 : i1 to i32
      %sign3A_71 = arith.constant 0 : i32
      %sign3A_72 = arith.cmpi slt, %add3A_68, %sign3A_71 : i32
      %sign3A_73 = arith.extui %sign3A_72 : i1 to i32
      %sign3A_74 = arith.subi %sign3A_70, %sign3A_73 : i32
      %sign3A_75 = arith.constant 0 : i32
      %sign3A_76 = arith.cmpi sgt, %jit3A, %sign3A_75 : i32
      %sign3A_77 = arith.extui %sign3A_76 : i1 to i32
      %sign3A_78 = arith.constant 0 : i32
      %sign3A_79 = arith.cmpi slt, %jit3A, %sign3A_78 : i32
      %sign3A_80 = arith.extui %sign3A_79 : i1 to i32
      %sign3A_81 = arith.subi %sign3A_77, %sign3A_80 : i32
      %ne3A = arith.cmpi ne, %sign3A_74, %sign3A_81 : i32
      %rem3A_82 = arith.remsi %add3A_68, %jit3A : i32
      %ne3A_83 = arith.constant 0 : i32
      %ne3A_84 = arith.cmpi ne, %rem3A_82, %ne3A_83 : i32
      %and3A = arith.andi %ne3A, %ne3A_84 : i1
      %sub3A = arith.constant 1 : i32
      %sub3A_85 = arith.subi %div3A, %sub3A : i32
      %select_n3A = arith.select %and3A, %sub3A_85, %div3A : i32
      %mul3A_86 = arith.constant 80 : i32
      %mul3A_87 = arith.muli %select_n3A, %mul3A_86 : i32
      %sub3A_88 = arith.subi %add3A_68, %mul3A_87 : i32
      %ge3A = arith.constant 2 : i32
      %ge3A_89 = arith.cmpi sge, %scan3A_62, %ge3A : i32
      %convert_element_type3A = arith.extui %ge3A_89 : i1 to i32
      %cond3A = arith.constant 0 : i32
      %cond3A_90 = arith.cmpi ne, %convert_element_type3A, %cond3A : i32
      scf.if %cond3A_90 {
        %dma_wait3A_114 = arith.constant 0 : i32
        %dma_wait3A_115 = arith.constant 0 : i32
        %dma_wait3A_116 = arith.constant 0 : i32
        %dma_wait3A_117 = arith.constant 0 : i32
        %dma_wait3A_118 = arith.constant 0 : i32
        %dma_wait3A_119 = arith.constant 0 : i32
        %dma_wait3A_120 = tpu.memref_slice %arg5[%dma_wait3A_117, %dma_wait3A_118, %dma_wait3A_119] : memref<8x80x80xf32, #tpu.memory_space<vmem>> -> memref<4x80x80xf32, #tpu.memory_space<vmem>>
        %dma_wait3A_121 = arith.constant 0 : i32
        %dma_wait3A_122 = arith.constant 0 : i32
        %dma_wait3A_123 = arith.constant 0 : i32
        %dma_wait3A_124 = tpu.memref_slice %arg3[%dma_wait3A_114, %dma_wait3A_115, %dma_wait3A_116, %dma_wait3A_121, %dma_wait3A_122, %dma_wait3A_123] : memref<1x1x80x80x80x80xf32, #tpu.memory_space<hbm>> -> memref<1x1x1x4x80x80xf32, #tpu.memory_space<hbm>>
        %dma_wait3A_125 = tpu.memref_squeeze %dma_wait3A_124 : memref<1x1x1x4x80x80xf32, #tpu.memory_space<hbm>> -> memref<4x80x80xf32, #tpu.memory_space<hbm>>
        %dma_wait3A_126 = tpu.memref_slice %arg6[%rem3A_63] : memref<2x!tpu.dma_semaphore, #tpu.memory_space<semaphore_mem>> -> memref<1x!tpu.dma_semaphore, #tpu.memory_space<semaphore_mem>>
        %dma_wait3A_127 = tpu.memref_squeeze %dma_wait3A_126 : memref<1x!tpu.dma_semaphore, #tpu.memory_space<semaphore_mem>> -> memref<!tpu.dma_semaphore, #tpu.memory_space<semaphore_mem>>
        %dma_wait3A_128 = arith.constant 0 : i32
        %dma_wait3A_129 = arith.constant 0 : i32
        %dma_wait3A_130 = arith.constant 0 : i32
        %dma_wait3A_131 = tpu.memref_slice %arg3[%dma_wait3A_114, %dma_wait3A_115, %dma_wait3A_116, %dma_wait3A_128, %dma_wait3A_129, %dma_wait3A_130] : memref<1x1x80x80x80x80xf32, #tpu.memory_space<hbm>> -> memref<1x1x1x4x80x80xf32, #tpu.memory_space<hbm>>
        %dma_wait3A_132 = tpu.memref_squeeze %dma_wait3A_131 : memref<1x1x1x4x80x80xf32, #tpu.memory_space<hbm>> -> memref<4x80x80xf32, #tpu.memory_space<hbm>>
        %dma_wait3A_133 = arith.constant 0 : i32
        %dma_wait3A_134 = arith.constant 0 : i32
        %dma_wait3A_135 = arith.constant 0 : i32
        %dma_wait3A_136 = tpu.memref_slice %arg5[%dma_wait3A_133, %dma_wait3A_134, %dma_wait3A_135] : memref<8x80x80xf32, #tpu.memory_space<vmem>> -> memref<4x80x80xf32, #tpu.memory_space<vmem>>
        tpu.wait_dma2 semaphore(%dma_wait3A_127 : memref<!tpu.dma_semaphore, #tpu.memory_space<semaphore_mem>>) src(%dma_wait3A_136 : memref<4x80x80xf32, #tpu.memory_space<vmem>>) dst(%dma_wait3A_132 : memref<4x80x80xf32, #tpu.memory_space<hbm>>)
        %scan3A_137 = arith.constant 0 : i32
        %scan3A_138 = arith.constant 0 : i32
        %scan3A_139 = arith.constant 4 : i32
        %scan3A_140 = arith.addi %scan3A_138, %scan3A_139 : i32
        %scan3A_141 = arith.constant 1 : i32
        scf.for %scan3A_143 = %scan3A_138 to %scan3A_140 step %scan3A_141  : i32 {
          %sub3A_144 = arith.constant 8 : i32
          %sub3A_145 = arith.subi %add3A_68, %sub3A_144 : i32
          %add3A_146 = arith.addi %sub3A_145, %scan3A_143 : i32
          %jit3A_147 = arith.constant 80 : i32
          %div3A_148 = arith.divsi %add3A_146, %jit3A_147 : i32
          %sign3A_149 = arith.constant 0 : i32
          %sign3A_150 = arith.cmpi sgt, %add3A_146, %sign3A_149 : i32
          %sign3A_151 = arith.extui %sign3A_150 : i1 to i32
          %sign3A_152 = arith.constant 0 : i32
          %sign3A_153 = arith.cmpi slt, %add3A_146, %sign3A_152 : i32
          %sign3A_154 = arith.extui %sign3A_153 : i1 to i32
          %sign3A_155 = arith.subi %sign3A_151, %sign3A_154 : i32
          %sign3A_156 = arith.constant 0 : i32
          %sign3A_157 = arith.cmpi sgt, %jit3A_147, %sign3A_156 : i32
          %sign3A_158 = arith.extui %sign3A_157 : i1 to i32
          %sign3A_159 = arith.constant 0 : i32
          %sign3A_160 = arith.cmpi slt, %jit3A_147, %sign3A_159 : i32
          %sign3A_161 = arith.extui %sign3A_160 : i1 to i32
          %sign3A_162 = arith.subi %sign3A_158, %sign3A_161 : i32
          %ne3A_163 = arith.cmpi ne, %sign3A_155, %sign3A_162 : i32
          %rem3A_164 = arith.remsi %add3A_146, %jit3A_147 : i32
          %ne3A_165 = arith.constant 0 : i32
          %ne3A_166 = arith.cmpi ne, %rem3A_164, %ne3A_165 : i32
          %and3A_167 = arith.andi %ne3A_163, %ne3A_166 : i1
          %sub3A_168 = arith.constant 1 : i32
          %sub3A_169 = arith.subi %div3A_148, %sub3A_168 : i32
          %select_n3A_170 = arith.select %and3A_167, %sub3A_169, %div3A_148 : i32
          %mul3A_171 = arith.constant 80 : i32
          %mul3A_172 = arith.muli %select_n3A_170, %mul3A_171 : i32
          %sub3A_173 = arith.subi %add3A_146, %mul3A_172 : i32
          %sub3A_174 = arith.constant 8 : i32
          %sub3A_175 = arith.subi %select_n3A_170, %sub3A_174 : i32
          %sub3A_176 = arith.constant 8 : i32
          %sub3A_177 = arith.subi %sub3A_173, %sub3A_176 : i32
          %jit3A_178 = arith.constant 16 : i32
          %div3A_179 = arith.divsi %sub3A_177, %jit3A_178 : i32
          %sign3A_180 = arith.constant 0 : i32
          %sign3A_181 = arith.cmpi sgt, %sub3A_177, %sign3A_180 : i32
          %sign3A_182 = arith.extui %sign3A_181 : i1 to i32
          %sign3A_183 = arith.constant 0 : i32
          %sign3A_184 = arith.cmpi slt, %sub3A_177, %sign3A_183 : i32
          %sign3A_185 = arith.extui %sign3A_184 : i1 to i32
          %sign3A_186 = arith.subi %sign3A_182, %sign3A_185 : i32
          %sign3A_187 = arith.constant 0 : i32
          %sign3A_188 = arith.cmpi sgt, %jit3A_178, %sign3A_187 : i32
          %sign3A_189 = arith.extui %sign3A_188 : i1 to i32
          %sign3A_190 = arith.constant 0 : i32
          %sign3A_191 = arith.cmpi slt, %jit3A_178, %sign3A_190 : i32
          %sign3A_192 = arith.extui %sign3A_191 : i1 to i32
          %sign3A_193 = arith.subi %sign3A_189, %sign3A_192 : i32
          %ne3A_194 = arith.cmpi ne, %sign3A_186, %sign3A_193 : i32
          %rem3A_195 = arith.remsi %sub3A_177, %jit3A_178 : i32
          %ne3A_196 = arith.constant 0 : i32
          %ne3A_197 = arith.cmpi ne, %rem3A_195, %ne3A_196 : i32
          %and3A_198 = arith.andi %ne3A_194, %ne3A_197 : i1
          %sub3A_199 = arith.constant 1 : i32
          %sub3A_200 = arith.subi %div3A_179, %sub3A_199 : i32
          %select_n3A_201 = arith.select %and3A_198, %sub3A_200, %div3A_179 : i32
          %jit3A_202 = arith.constant 0 : i32
          %jit3A_203 = arith.constant 4 : i32
          %max3A = arith.maxsi %jit3A_202, %select_n3A_201 : i32
          %min3A = arith.minsi %jit3A_203, %max3A : i32
          %mul3A_204 = arith.constant 16 : i32
          %mul3A_205 = arith.muli %mul3A_204, %min3A : i32
          %multiple_of3A = tpu.assume_multiple %mul3A_205, 16 : i32
          %jit3A_206 = arith.constant 16 : i32
          %div3A_207 = arith.divsi %sub3A_177, %jit3A_206 : i32
          %sign3A_208 = arith.constant 0 : i32
          %sign3A_209 = arith.cmpi sgt, %sub3A_177, %sign3A_208 : i32
          %sign3A_210 = arith.extui %sign3A_209 : i1 to i32
          %sign3A_211 = arith.constant 0 : i32
          %sign3A_212 = arith.cmpi slt, %sub3A_177, %sign3A_211 : i32
          %sign3A_213 = arith.extui %sign3A_212 : i1 to i32
          %sign3A_214 = arith.subi %sign3A_210, %sign3A_213 : i32
          %sign3A_215 = arith.constant 0 : i32
          %sign3A_216 = arith.cmpi sgt, %jit3A_206, %sign3A_215 : i32
          %sign3A_217 = arith.extui %sign3A_216 : i1 to i32
          %sign3A_218 = arith.constant 0 : i32
          %sign3A_219 = arith.cmpi slt, %jit3A_206, %sign3A_218 : i32
          %sign3A_220 = arith.extui %sign3A_219 : i1 to i32
          %sign3A_221 = arith.subi %sign3A_217, %sign3A_220 : i32
          %ne3A_222 = arith.cmpi ne, %sign3A_214, %sign3A_221 : i32
          %rem3A_223 = arith.remsi %sub3A_177, %jit3A_206 : i32
          %ne3A_224 = arith.constant 0 : i32
          %ne3A_225 = arith.cmpi ne, %rem3A_223, %ne3A_224 : i32
          %and3A_226 = arith.andi %ne3A_222, %ne3A_225 : i1
          %sub3A_227 = arith.constant 1 : i32
          %sub3A_228 = arith.subi %div3A_207, %sub3A_227 : i32
          %select_n3A_229 = arith.select %and3A_226, %sub3A_228, %div3A_207 : i32
          %add3A_230 = arith.constant 1 : i32
          %add3A_231 = arith.addi %select_n3A_229, %add3A_230 : i32
          %jit3A_232 = arith.constant 0 : i32
          %jit3A_233 = arith.constant 4 : i32
          %max3A_234 = arith.maxsi %jit3A_232, %add3A_231 : i32
          %min3A_235 = arith.minsi %jit3A_233, %max3A_234 : i32
          %mul3A_236 = arith.constant 16 : i32
          %mul3A_237 = arith.muli %mul3A_236, %min3A_235 : i32
          %multiple_of3A_238 = tpu.assume_multiple %mul3A_237, 16 : i32
          %neg3A = arith.constant 0 : i32
          %neg3A_239 = arith.subi %neg3A, %sub3A_175 : i32
          %max3A_240 = arith.constant 0 : i32
          %max3A_241 = arith.maxsi %max3A_240, %neg3A_239 : i32
          %sub3A_242 = arith.constant 80 : i32
          %sub3A_243 = arith.subi %sub3A_242, %sub3A_175 : i32
          %min3A_244 = arith.constant 17 : i32
          %min3A_245 = arith.minsi %min3A_244, %sub3A_243 : i32
          %add3A_246 = arith.addi %mul3A_65, %scan3A_143 : i32
          %mul3A_247 = arith.constant 34 : i32
          %mul3A_248 = arith.muli %sub3A_173, %mul3A_247 : i32
          %while3A = arith.constant 0 : i32
          %while3A_249 = arith.subi %min3A_245, %max3A_241 : i32
          %while3A_250 = arith.addi %max3A_241, %while3A_249 : i32
          %while3A_251 = arith.constant 1 : i32
          %while3A_252 = arith.divsi %while3A_249, %while3A_251 : i32
          %while3A_253 = arith.muli %while3A_252, %while3A_251 : i32
          %while3A_254 = arith.addi %max3A_241, %while3A_253 : i32
          %while3A_255 = arith.constant 1 : i32
          scf.for %while3A_257 = %max3A_241 to %while3A_254 step %while3A_255  : i32 {
            %add3A_258 = arith.addi %sub3A_175, %while3A_257 : i32
            %mul3A_259 = arith.constant 2 : i32
            %mul3A_260 = arith.muli %mul3A_259, %while3A_257 : i32
            %add3A_261 = arith.addi %mul3A_248, %mul3A_260 : i32
            %add3A_262 = arith.constant 1 : i32
            %add3A_263 = arith.addi %add3A_261, %add3A_262 : i32
            %swap3A = arith.index_cast %add3A_246 : i32 to index
            %swap3A_264 = arith.index_cast %add3A_258 : i32 to index
            %swap3A_265 = arith.index_cast %multiple_of3A : i32 to index
            %swap3A_266 = tpu.vector_load %arg5[%swap3A, %swap3A_264, %swap3A_265] {strides = array<i32>} : memref<8x80x80xf32, #tpu.memory_space<vmem>>, vector<1x1x16xf32>,
            %swap3A_267 = vector.shape_cast %swap3A_266 : vector<1x1x16xf32> to vector<16xf32>
            %swap3A_268 = vector.shape_cast %broadcast_in_dim3A_3 : vector<16xf32> to vector<1x1x16xf32>
            tpu.vector_store %arg5[%swap3A, %swap3A_264, %swap3A_265], %swap3A_268 {strides = array<i32>} : memref<8x80x80xf32, #tpu.memory_space<vmem>>, vector<1x1x16xf32>,
            %swap3A_269 = arith.index_cast %add3A_246 : i32 to index
            %swap3A_270 = arith.index_cast %add3A_258 : i32 to index
            %swap3A_271 = arith.index_cast %multiple_of3A_238 : i32 to index
            %swap3A_272 = tpu.vector_load %arg5[%swap3A_269, %swap3A_270, %swap3A_271] {strides = array<i32>} : memref<8x80x80xf32, #tpu.memory_space<vmem>>, vector<1x1x16xf32>,
            %swap3A_273 = vector.shape_cast %swap3A_272 : vector<1x1x16xf32> to vector<16xf32>
            %swap3A_274 = vector.shape_cast %broadcast_in_dim3A_3 : vector<16xf32> to vector<1x1x16xf32>
            tpu.vector_store %arg5[%swap3A_269, %swap3A_270, %swap3A_271], %swap3A_274 {strides = array<i32>} : memref<8x80x80xf32, #tpu.memory_space<vmem>>, vector<1x1x16xf32>,
          }
          %while3A_256 = arith.constant 1 : i32
          scf.for %while3A_257 = %while3A_254 to %while3A_250 step %while3A_256  : i32 {
            %add3A_258 = arith.addi %sub3A_175, %while3A_257 : i32
            %mul3A_259 = arith.constant 2 : i32
            %mul3A_260 = arith.muli %mul3A_259, %while3A_257 : i32
            %add3A_261 = arith.addi %mul3A_248, %mul3A_260 : i32
            %add3A_262 = arith.constant 1 : i32
            %add3A_263 = arith.addi %add3A_261, %add3A_262 : i32
            %swap3A = arith.index_cast %add3A_246 : i32 to index
            %swap3A_264 = arith.index_cast %add3A_258 : i32 to index
            %swap3A_265 = arith.index_cast %multiple_of3A : i32 to index
            %swap3A_266 = tpu.vector_load %arg5[%swap3A, %swap3A_264, %swap3A_265] {strides = array<i32>} : memref<8x80x80xf32, #tpu.memory_space<vmem>>, vector<1x1x16xf32>,
            %swap3A_267 = vector.shape_cast %swap3A_266 : vector<1x1x16xf32> to vector<16xf32>
            %swap3A_268 = vector.shape_cast %broadcast_in_dim3A_3 : vector<16xf32> to vector<1x1x16xf32>
            tpu.vector_store %arg5[%swap3A, %swap3A_264, %swap3A_265], %swap3A_268 {strides = array<i32>} : memref<8x80x80xf32, #tpu.memory_space<vmem>>, vector<1x1x16xf32>,
            %swap3A_269 = arith.index_cast %add3A_246 : i32 to index
            %swap3A_270 = arith.index_cast %add3A_258 : i32 to index
            %swap3A_271 = arith.index_cast %multiple_of3A_238 : i32 to index
            %swap3A_272 = tpu.vector_load %arg5[%swap3A_269, %swap3A_270, %swap3A_271] {strides = array<i32>} : memref<8x80x80xf32, #tpu.memory_space<vmem>>, vector<1x1x16xf32>,
            %swap3A_273 = vector.shape_cast %swap3A_272 : vector<1x1x16xf32> to vector<16xf32>
            %swap3A_274 = vector.shape_cast %broadcast_in_dim3A_3 : vector<16xf32> to vector<1x1x16xf32>
            tpu.vector_store %arg5[%swap3A_269, %swap3A_270, %swap3A_271], %swap3A_274 {strides = array<i32>} : memref<8x80x80xf32, #tpu.memory_space<vmem>>, vector<1x1x16xf32>,
          }
        }
        %scan3A_142 = arith.constant 4 : i32
      } else {
      }
      %scan3A_91 = arith.constant 0 : i32
      %scan3A_92 = arith.constant 0 : i32
      %scan3A_93 = arith.constant 4 : i32
      %scan3A_94 = arith.addi %scan3A_92, %scan3A_93 : i32
      %scan3A_95 = arith.constant 1 : i32
      scf.for %scan3A_114 = %scan3A_92 to %scan3A_94 step %scan3A_95  : i32 {
        %add3A_115 = arith.addi %add3A_68, %scan3A_114 : i32
        %jit3A_116 = arith.constant 80 : i32
        %div3A_117 = arith.divsi %add3A_115, %jit3A_116 : i32
        %sign3A_118 = arith.constant 0 : i32
        %sign3A_119 = arith.cmpi sgt, %add3A_115, %sign3A_118 : i32
        %sign3A_120 = arith.extui %sign3A_119 : i1 to i32
        %sign3A_121 = arith.constant 0 : i32
        %sign3A_122 = arith.cmpi slt, %add3A_115, %sign3A_121 : i32
        %sign3A_123 = arith.extui %sign3A_122 : i1 to i32
        %sign3A_124 = arith.subi %sign3A_120, %sign3A_123 : i32
        %sign3A_125 = arith.constant 0 : i32
        %sign3A_126 = arith.cmpi sgt, %jit3A_116, %sign3A_125 : i32
        %sign3A_127 = arith.extui %sign3A_126 : i1 to i32
        %sign3A_128 = arith.constant 0 : i32
        %sign3A_129 = arith.cmpi slt, %jit3A_116, %sign3A_128 : i32
        %sign3A_130 = arith.extui %sign3A_129 : i1 to i32
        %sign3A_131 = arith.subi %sign3A_127, %sign3A_130 : i32
        %ne3A_132 = arith.cmpi ne, %sign3A_124, %sign3A_131 : i32
        %rem3A_133 = arith.remsi %add3A_115, %jit3A_116 : i32
        %ne3A_134 = arith.constant 0 : i32
        %ne3A_135 = arith.cmpi ne, %rem3A_133, %ne3A_134 : i32
        %and3A_136 = arith.andi %ne3A_132, %ne3A_135 : i1
        %sub3A_137 = arith.constant 1 : i32
        %sub3A_138 = arith.subi %div3A_117, %sub3A_137 : i32
        %select_n3A_139 = arith.select %and3A_136, %sub3A_138, %div3A_117 : i32
        %mul3A_140 = arith.constant 80 : i32
        %mul3A_141 = arith.muli %select_n3A_139, %mul3A_140 : i32
        %sub3A_142 = arith.subi %add3A_115, %mul3A_141 : i32
        %sub3A_143 = arith.constant 8 : i32
        %sub3A_144 = arith.subi %select_n3A_139, %sub3A_143 : i32
        %sub3A_145 = arith.constant 8 : i32
        %sub3A_146 = arith.subi %sub3A_142, %sub3A_145 : i32
        %jit3A_147 = arith.constant 16 : i32
        %div3A_148 = arith.divsi %sub3A_146, %jit3A_147 : i32
        %sign3A_149 = arith.constant 0 : i32
        %sign3A_150 = arith.cmpi sgt, %sub3A_146, %sign3A_149 : i32
        %sign3A_151 = arith.extui %sign3A_150 : i1 to i32
        %sign3A_152 = arith.constant 0 : i32
        %sign3A_153 = arith.cmpi slt, %sub3A_146, %sign3A_152 : i32
        %sign3A_154 = arith.extui %sign3A_153 : i1 to i32
        %sign3A_155 = arith.subi %sign3A_151, %sign3A_154 : i32
        %sign3A_156 = arith.constant 0 : i32
        %sign3A_157 = arith.cmpi sgt, %jit3A_147, %sign3A_156 : i32
        %sign3A_158 = arith.extui %sign3A_157 : i1 to i32
        %sign3A_159 = arith.constant 0 : i32
        %sign3A_160 = arith.cmpi slt, %jit3A_147, %sign3A_159 : i32
        %sign3A_161 = arith.extui %sign3A_160 : i1 to i32
        %sign3A_162 = arith.subi %sign3A_158, %sign3A_161 : i32
        %ne3A_163 = arith.cmpi ne, %sign3A_155, %sign3A_162 : i32
        %rem3A_164 = arith.remsi %sub3A_146, %jit3A_147 : i32
        %ne3A_165 = arith.constant 0 : i32
        %ne3A_166 = arith.cmpi ne, %rem3A_164, %ne3A_165 : i32
        %and3A_167 = arith.andi %ne3A_163, %ne3A_166 : i1
        %sub3A_168 = arith.constant 1 : i32
        %sub3A_169 = arith.subi %div3A_148, %sub3A_168 : i32
        %select_n3A_170 = arith.select %and3A_167, %sub3A_169, %div3A_148 : i32
        %jit3A_171 = arith.constant 0 : i32
        %jit3A_172 = arith.constant 4 : i32
        %max3A = arith.maxsi %jit3A_171, %select_n3A_170 : i32
        %min3A = arith.minsi %jit3A_172, %max3A : i32
        %mul3A_173 = arith.constant 16 : i32
        %mul3A_174 = arith.muli %mul3A_173, %min3A : i32
        %multiple_of3A = tpu.assume_multiple %mul3A_174, 16 : i32
        %jit3A_175 = arith.constant 16 : i32
        %div3A_176 = arith.divsi %sub3A_146, %jit3A_175 : i32
        %sign3A_177 = arith.constant 0 : i32
        %sign3A_178 = arith.cmpi sgt, %sub3A_146, %sign3A_177 : i32
        %sign3A_179 = arith.extui %sign3A_178 : i1 to i32
        %sign3A_180 = arith.constant 0 : i32
        %sign3A_181 = arith.cmpi slt, %sub3A_146, %sign3A_180 : i32
        %sign3A_182 = arith.extui %sign3A_181 : i1 to i32
        %sign3A_183 = arith.subi %sign3A_179, %sign3A_182 : i32
        %sign3A_184 = arith.constant 0 : i32
        %sign3A_185 = arith.cmpi sgt, %jit3A_175, %sign3A_184 : i32
        %sign3A_186 = arith.extui %sign3A_185 : i1 to i32
        %sign3A_187 = arith.constant 0 : i32
        %sign3A_188 = arith.cmpi slt, %jit3A_175, %sign3A_187 : i32
        %sign3A_189 = arith.extui %sign3A_188 : i1 to i32
        %sign3A_190 = arith.subi %sign3A_186, %sign3A_189 : i32
        %ne3A_191 = arith.cmpi ne, %sign3A_183, %sign3A_190 : i32
        %rem3A_192 = arith.remsi %sub3A_146, %jit3A_175 : i32
        %ne3A_193 = arith.constant 0 : i32
        %ne3A_194 = arith.cmpi ne, %rem3A_192, %ne3A_193 : i32
        %and3A_195 = arith.andi %ne3A_191, %ne3A_194 : i1
        %sub3A_196 = arith.constant 1 : i32
        %sub3A_197 = arith.subi %div3A_176, %sub3A_196 : i32
        %select_n3A_198 = arith.select %and3A_195, %sub3A_197, %div3A_176 : i32
        %add3A_199 = arith.constant 1 : i32
        %add3A_200 = arith.addi %select_n3A_198, %add3A_199 : i32
        %jit3A_201 = arith.constant 0 : i32
        %jit3A_202 = arith.constant 4 : i32
        %max3A_203 = arith.maxsi %jit3A_201, %add3A_200 : i32
        %min3A_204 = arith.minsi %jit3A_202, %max3A_203 : i32
        %mul3A_205 = arith.constant 16 : i32
        %mul3A_206 = arith.muli %mul3A_205, %min3A_204 : i32
        %multiple_of3A_207 = tpu.assume_multiple %mul3A_206, 16 : i32
        %neg3A = arith.constant 0 : i32
        %neg3A_208 = arith.subi %neg3A, %sub3A_144 : i32
        %max3A_209 = arith.constant 0 : i32
        %max3A_210 = arith.maxsi %max3A_209, %neg3A_208 : i32
        %sub3A_211 = arith.constant 80 : i32
        %sub3A_212 = arith.subi %sub3A_211, %sub3A_144 : i32
        %min3A_213 = arith.constant 17 : i32
        %min3A_214 = arith.minsi %min3A_213, %sub3A_212 : i32
        %add3A_215 = arith.addi %mul3A_65, %scan3A_114 : i32
        %mul3A_216 = arith.constant 34 : i32
        %mul3A_217 = arith.muli %sub3A_142, %mul3A_216 : i32
        %while3A = arith.constant 0 : i32
        %while3A_218 = arith.subi %min3A_214, %max3A_210 : i32
        %while3A_219 = arith.addi %max3A_210, %while3A_218 : i32
        %while3A_220 = arith.constant 1 : i32
        %while3A_221 = arith.divsi %while3A_218, %while3A_220 : i32
        %while3A_222 = arith.muli %while3A_221, %while3A_220 : i32
        %while3A_223 = arith.addi %max3A_210, %while3A_222 : i32
        %while3A_224 = arith.constant 1 : i32
        scf.for %while3A_226 = %max3A_210 to %while3A_223 step %while3A_224  : i32 {
          %add3A_227 = arith.addi %sub3A_144, %while3A_226 : i32
          %mul3A_228 = arith.constant 2 : i32
          %mul3A_229 = arith.muli %mul3A_228, %while3A_226 : i32
          %add3A_230 = arith.addi %mul3A_217, %mul3A_229 : i32
          %add3A_231 = arith.constant 1 : i32
          %add3A_232 = arith.addi %add3A_230, %add3A_231 : i32
          %jit3A_233 = arith.constant 8 : i32
          %div3A_234 = arith.divsi %add3A_230, %jit3A_233 : i32
          %sign3A_235 = arith.constant 0 : i32
          %sign3A_236 = arith.cmpi sgt, %add3A_230, %sign3A_235 : i32
          %sign3A_237 = arith.extui %sign3A_236 : i1 to i32
          %sign3A_238 = arith.constant 0 : i32
          %sign3A_239 = arith.cmpi slt, %add3A_230, %sign3A_238 : i32
          %sign3A_240 = arith.extui %sign3A_239 : i1 to i32
          %sign3A_241 = arith.subi %sign3A_237, %sign3A_240 : i32
          %sign3A_242 = arith.constant 0 : i32
          %sign3A_243 = arith.cmpi sgt, %jit3A_233, %sign3A_242 : i32
          %sign3A_244 = arith.extui %sign3A_243 : i1 to i32
          %sign3A_245 = arith.constant 0 : i32
          %sign3A_246 = arith.cmpi slt, %jit3A_233, %sign3A_245 : i32
          %sign3A_247 = arith.extui %sign3A_246 : i1 to i32
          %sign3A_248 = arith.subi %sign3A_244, %sign3A_247 : i32
          %ne3A_249 = arith.cmpi ne, %sign3A_241, %sign3A_248 : i32
          %rem3A_250 = arith.remsi %add3A_230, %jit3A_233 : i32
          %ne3A_251 = arith.constant 0 : i32
          %ne3A_252 = arith.cmpi ne, %rem3A_250, %ne3A_251 : i32
          %and3A_253 = arith.andi %ne3A_249, %ne3A_252 : i1
          %sub3A_254 = arith.constant 1 : i32
          %sub3A_255 = arith.subi %div3A_234, %sub3A_254 : i32
          %select_n3A_256 = arith.select %and3A_253, %sub3A_255, %div3A_234 : i32
          %rem3A_257 = arith.constant 8 : i32
          %rem3A_258 = arith.remsi %add3A_230, %rem3A_257 : i32
          %mul3A_259 = arith.constant 16 : i32
          %mul3A_260 = arith.muli %mul3A_259, %rem3A_258 : i32
          %multiple_of3A_261 = tpu.assume_multiple %mul3A_260, 16 : i32
          %get3A = arith.index_cast %select_n3A_256 : i32 to index
          %get3A_262 = arith.index_cast %multiple_of3A_261 : i32 to index
          %get3A_263 = tpu.vector_load %arg4[%get3A, %get3A_262] {strides = array<i32>} : memref<340x128xf32, #tpu.memory_space<vmem>>, vector<1x16xf32>,
          %get3A_264 = vector.shape_cast %get3A_263 : vector<1x16xf32> to vector<16xf32>
          %swap3A = arith.index_cast %add3A_215 : i32 to index
          %swap3A_265 = arith.index_cast %add3A_227 : i32 to index
          %swap3A_266 = arith.index_cast %multiple_of3A : i32 to index
          %swap3A_267 = tpu.vector_load %arg5[%swap3A, %swap3A_265, %swap3A_266] {strides = array<i32>} : memref<8x80x80xf32, #tpu.memory_space<vmem>>, vector<1x1x16xf32>,
          %swap3A_268 = vector.shape_cast %swap3A_267 : vector<1x1x16xf32> to vector<16xf32>
          %swap3A_269 = vector.shape_cast %get3A_264 : vector<16xf32> to vector<1x1x16xf32>
          tpu.vector_store %arg5[%swap3A, %swap3A_265, %swap3A_266], %swap3A_269 {strides = array<i32>} : memref<8x80x80xf32, #tpu.memory_space<vmem>>, vector<1x1x16xf32>,
          %jit3A_270 = arith.constant 8 : i32
          %div3A_271 = arith.divsi %add3A_232, %jit3A_270 : i32
          %sign3A_272 = arith.constant 0 : i32
          %sign3A_273 = arith.cmpi sgt, %add3A_232, %sign3A_272 : i32
          %sign3A_274 = arith.extui %sign3A_273 : i1 to i32
          %sign3A_275 = arith.constant 0 : i32
          %sign3A_276 = arith.cmpi slt, %add3A_232, %sign3A_275 : i32
          %sign3A_277 = arith.extui %sign3A_276 : i1 to i32
          %sign3A_278 = arith.subi %sign3A_274, %sign3A_277 : i32
          %sign3A_279 = arith.constant 0 : i32
          %sign3A_280 = arith.cmpi sgt, %jit3A_270, %sign3A_279 : i32
          %sign3A_281 = arith.extui %sign3A_280 : i1 to i32
          %sign3A_282 = arith.constant 0 : i32
          %sign3A_283 = arith.cmpi slt, %jit3A_270, %sign3A_282 : i32
          %sign3A_284 = arith.extui %sign3A_283 : i1 to i32
          %sign3A_285 = arith.subi %sign3A_281, %sign3A_284 : i32
          %ne3A_286 = arith.cmpi ne, %sign3A_278, %sign3A_285 : i32
          %rem3A_287 = arith.remsi %add3A_232, %jit3A_270 : i32
          %ne3A_288 = arith.constant 0 : i32
          %ne3A_289 = arith.cmpi ne, %rem3A_287, %ne3A_288 : i32
          %and3A_290 = arith.andi %ne3A_286, %ne3A_289 : i1
          %sub3A_291 = arith.constant 1 : i32
          %sub3A_292 = arith.subi %div3A_271, %sub3A_291 : i32
          %select_n3A_293 = arith.select %and3A_290, %sub3A_292, %div3A_271 : i32
          %rem3A_294 = arith.constant 8 : i32
          %rem3A_295 = arith.remsi %add3A_232, %rem3A_294 : i32
          %mul3A_296 = arith.constant 16 : i32
          %mul3A_297 = arith.muli %mul3A_296, %rem3A_295 : i32
          %multiple_of3A_298 = tpu.assume_multiple %mul3A_297, 16 : i32
          %get3A_299 = arith.index_cast %select_n3A_293 : i32 to index
          %get3A_300 = arith.index_cast %multiple_of3A_298 : i32 to index
          %get3A_301 = tpu.vector_load %arg4[%get3A_299, %get3A_300] {strides = array<i32>} : memref<340x128xf32, #tpu.memory_space<vmem>>, vector<1x16xf32>,
          %get3A_302 = vector.shape_cast %get3A_301 : vector<1x16xf32> to vector<16xf32>
          %swap3A_303 = arith.index_cast %add3A_215 : i32 to index
          %swap3A_304 = arith.index_cast %add3A_227 : i32 to index
          %swap3A_305 = arith.index_cast %multiple_of3A_207 : i32 to index
          %swap3A_306 = tpu.vector_load %arg5[%swap3A_303, %swap3A_304, %swap3A_305] {strides = array<i32>} : memref<8x80x80xf32, #tpu.memory_space<vmem>>, vector<1x1x16xf32>,
          %swap3A_307 = vector.shape_cast %swap3A_306 : vector<1x1x16xf32> to vector<16xf32>
          %swap3A_308 = vector.shape_cast %get3A_302 : vector<16xf32> to vector<1x1x16xf32>
          tpu.vector_store %arg5[%swap3A_303, %swap3A_304, %swap3A_305], %swap3A_308 {strides = array<i32>} : memref<8x80x80xf32, #tpu.memory_space<vmem>>, vector<1x1x16xf32>,
        }
        %while3A_225 = arith.constant 1 : i32
        scf.for %while3A_226 = %while3A_223 to %while3A_219 step %while3A_225  : i32 {
          %add3A_227 = arith.addi %sub3A_144, %while3A_226 : i32
          %mul3A_228 = arith.constant 2 : i32
          %mul3A_229 = arith.muli %mul3A_228, %while3A_226 : i32
          %add3A_230 = arith.addi %mul3A_217, %mul3A_229 : i32
          %add3A_231 = arith.constant 1 : i32
          %add3A_232 = arith.addi %add3A_230, %add3A_231 : i32
          %jit3A_233 = arith.constant 8 : i32
          %div3A_234 = arith.divsi %add3A_230, %jit3A_233 : i32
          %sign3A_235 = arith.constant 0 : i32
          %sign3A_236 = arith.cmpi sgt, %add3A_230, %sign3A_235 : i32
          %sign3A_237 = arith.extui %sign3A_236 : i1 to i32
          %sign3A_238 = arith.constant 0 : i32
          %sign3A_239 = arith.cmpi slt, %add3A_230, %sign3A_238 : i32
          %sign3A_240 = arith.extui %sign3A_239 : i1 to i32
          %sign3A_241 = arith.subi %sign3A_237, %sign3A_240 : i32
          %sign3A_242 = arith.constant 0 : i32
          %sign3A_243 = arith.cmpi sgt, %jit3A_233, %sign3A_242 : i32
          %sign3A_244 = arith.extui %sign3A_243 : i1 to i32
          %sign3A_245 = arith.constant 0 : i32
          %sign3A_246 = arith.cmpi slt, %jit3A_233, %sign3A_245 : i32
          %sign3A_247 = arith.extui %sign3A_246 : i1 to i32
          %sign3A_248 = arith.subi %sign3A_244, %sign3A_247 : i32
          %ne3A_249 = arith.cmpi ne, %sign3A_241, %sign3A_248 : i32
          %rem3A_250 = arith.remsi %add3A_230, %jit3A_233 : i32
          %ne3A_251 = arith.constant 0 : i32
          %ne3A_252 = arith.cmpi ne, %rem3A_250, %ne3A_251 : i32
          %and3A_253 = arith.andi %ne3A_249, %ne3A_252 : i1
          %sub3A_254 = arith.constant 1 : i32
          %sub3A_255 = arith.subi %div3A_234, %sub3A_254 : i32
          %select_n3A_256 = arith.select %and3A_253, %sub3A_255, %div3A_234 : i32
          %rem3A_257 = arith.constant 8 : i32
          %rem3A_258 = arith.remsi %add3A_230, %rem3A_257 : i32
          %mul3A_259 = arith.constant 16 : i32
          %mul3A_260 = arith.muli %mul3A_259, %rem3A_258 : i32
          %multiple_of3A_261 = tpu.assume_multiple %mul3A_260, 16 : i32
          %get3A = arith.index_cast %select_n3A_256 : i32 to index
          %get3A_262 = arith.index_cast %multiple_of3A_261 : i32 to index
          %get3A_263 = tpu.vector_load %arg4[%get3A, %get3A_262] {strides = array<i32>} : memref<340x128xf32, #tpu.memory_space<vmem>>, vector<1x16xf32>,
          %get3A_264 = vector.shape_cast %get3A_263 : vector<1x16xf32> to vector<16xf32>
          %swap3A = arith.index_cast %add3A_215 : i32 to index
          %swap3A_265 = arith.index_cast %add3A_227 : i32 to index
          %swap3A_266 = arith.index_cast %multiple_of3A : i32 to index
          %swap3A_267 = tpu.vector_load %arg5[%swap3A, %swap3A_265, %swap3A_266] {strides = array<i32>} : memref<8x80x80xf32, #tpu.memory_space<vmem>>, vector<1x1x16xf32>,
          %swap3A_268 = vector.shape_cast %swap3A_267 : vector<1x1x16xf32> to vector<16xf32>
          %swap3A_269 = vector.shape_cast %get3A_264 : vector<16xf32> to vector<1x1x16xf32>
          tpu.vector_store %arg5[%swap3A, %swap3A_265, %swap3A_266], %swap3A_269 {strides = array<i32>} : memref<8x80x80xf32, #tpu.memory_space<vmem>>, vector<1x1x16xf32>,
          %jit3A_270 = arith.constant 8 : i32
          %div3A_271 = arith.divsi %add3A_232, %jit3A_270 : i32
          %sign3A_272 = arith.constant 0 : i32
          %sign3A_273 = arith.cmpi sgt, %add3A_232, %sign3A_272 : i32
          %sign3A_274 = arith.extui %sign3A_273 : i1 to i32
          %sign3A_275 = arith.constant 0 : i32
          %sign3A_276 = arith.cmpi slt, %add3A_232, %sign3A_275 : i32
          %sign3A_277 = arith.extui %sign3A_276 : i1 to i32
          %sign3A_278 = arith.subi %sign3A_274, %sign3A_277 : i32
          %sign3A_279 = arith.constant 0 : i32
          %sign3A_280 = arith.cmpi sgt, %jit3A_270, %sign3A_279 : i32
          %sign3A_281 = arith.extui %sign3A_280 : i1 to i32
          %sign3A_282 = arith.constant 0 : i32
          %sign3A_283 = arith.cmpi slt, %jit3A_270, %sign3A_282 : i32
          %sign3A_284 = arith.extui %sign3A_283 : i1 to i32
          %sign3A_285 = arith.subi %sign3A_281, %sign3A_284 : i32
          %ne3A_286 = arith.cmpi ne, %sign3A_278, %sign3A_285 : i32
          %rem3A_287 = arith.remsi %add3A_232, %jit3A_270 : i32
          %ne3A_288 = arith.constant 0 : i32
          %ne3A_289 = arith.cmpi ne, %rem3A_287, %ne3A_288 : i32
          %and3A_290 = arith.andi %ne3A_286, %ne3A_289 : i1
          %sub3A_291 = arith.constant 1 : i32
          %sub3A_292 = arith.subi %div3A_271, %sub3A_291 : i32
          %select_n3A_293 = arith.select %and3A_290, %sub3A_292, %div3A_271 : i32
          %rem3A_294 = arith.constant 8 : i32
          %rem3A_295 = arith.remsi %add3A_232, %rem3A_294 : i32
          %mul3A_296 = arith.constant 16 : i32
          %mul3A_297 = arith.muli %mul3A_296, %rem3A_295 : i32
          %multiple_of3A_298 = tpu.assume_multiple %mul3A_297, 16 : i32
          %get3A_299 = arith.index_cast %select_n3A_293 : i32 to index
          %get3A_300 = arith.index_cast %multiple_of3A_298 : i32 to index
          %get3A_301 = tpu.vector_load %arg4[%get3A_299, %get3A_300] {strides = array<i32>} : memref<340x128xf32, #tpu.memory_space<vmem>>, vector<1x16xf32>,
          %get3A_302 = vector.shape_cast %get3A_301 : vector<1x16xf32> to vector<16xf32>
          %swap3A_303 = arith.index_cast %add3A_215 : i32 to index
          %swap3A_304 = arith.index_cast %add3A_227 : i32 to index
          %swap3A_305 = arith.index_cast %multiple_of3A_207 : i32 to index
          %swap3A_306 = tpu.vector_load %arg5[%swap3A_303, %swap3A_304, %swap3A_305] {strides = array<i32>} : memref<8x80x80xf32, #tpu.memory_space<vmem>>, vector<1x1x16xf32>,
          %swap3A_307 = vector.shape_cast %swap3A_306 : vector<1x1x16xf32> to vector<16xf32>
          %swap3A_308 = vector.shape_cast %get3A_302 : vector<16xf32> to vector<1x1x16xf32>
          tpu.vector_store %arg5[%swap3A_303, %swap3A_304, %swap3A_305], %swap3A_308 {strides = array<i32>} : memref<8x80x80xf32, #tpu.memory_space<vmem>>, vector<1x1x16xf32>,
        }
      }
      %scan3A_96 = arith.constant 4 : i32
      %dma_start3A = arith.constant 0 : i32
      %dma_start3A_97 = arith.constant 0 : i32
      %dma_start3A_98 = arith.constant 0 : i32
      %dma_start3A_99 = arith.constant 0 : i32
      %dma_start3A_100 = tpu.memref_slice %arg5[%mul3A_65, %dma_start3A_98, %dma_start3A_99] : memref<8x80x80xf32, #tpu.memory_space<vmem>> -> memref<4x80x80xf32, #tpu.memory_space<vmem>>
      %dma_start3A_101 = arith.constant 0 : i32
      %dma_start3A_102 = arith.constant 0 : i32
      %dma_start3A_103 = tpu.memref_slice %arg3[%dma_start3A, %dma_start3A_97, %select_n3A, %sub3A_88, %dma_start3A_101, %dma_start3A_102] : memref<1x1x80x80x80x80xf32, #tpu.memory_space<hbm>> -> memref<1x1x1x4x80x80xf32, #tpu.memory_space<hbm>>
      %dma_start3A_104 = tpu.memref_squeeze %dma_start3A_103 : memref<1x1x1x4x80x80xf32, #tpu.memory_space<hbm>> -> memref<4x80x80xf32, #tpu.memory_space<hbm>>
      %dma_start3A_105 = tpu.memref_slice %arg6[%rem3A_63] : memref<2x!tpu.dma_semaphore, #tpu.memory_space<semaphore_mem>> -> memref<1x!tpu.dma_semaphore, #tpu.memory_space<semaphore_mem>>
      %dma_start3A_106 = tpu.memref_squeeze %dma_start3A_105 : memref<1x!tpu.dma_semaphore, #tpu.memory_space<semaphore_mem>> -> memref<!tpu.dma_semaphore, #tpu.memory_space<semaphore_mem>>
      %dma_start3A_107 = arith.constant 0 : i32
      %dma_start3A_108 = arith.constant 0 : i32
      %dma_start3A_109 = tpu.memref_slice %arg3[%dma_start3A, %dma_start3A_97, %select_n3A, %sub3A_88, %dma_start3A_107, %dma_start3A_108] : memref<1x1x80x80x80x80xf32, #tpu.memory_space<hbm>> -> memref<1x1x1x4x80x80xf32, #tpu.memory_space<hbm>>
      %dma_start3A_110 = tpu.memref_squeeze %dma_start3A_109 : memref<1x1x1x4x80x80xf32, #tpu.memory_space<hbm>> -> memref<4x80x80xf32, #tpu.memory_space<hbm>>
      %dma_start3A_111 = arith.constant 0 : i32
      %dma_start3A_112 = arith.constant 0 : i32
      %dma_start3A_113 = tpu.memref_slice %arg5[%mul3A_65, %dma_start3A_111, %dma_start3A_112] : memref<8x80x80xf32, #tpu.memory_space<vmem>> -> memref<4x80x80xf32, #tpu.memory_space<vmem>>
      tpu.enqueue_dma source(%dma_start3A_113 : memref<4x80x80xf32, #tpu.memory_space<vmem>>) target(%dma_start3A_110 : memref<4x80x80xf32, #tpu.memory_space<hbm>>) target_semaphore(%dma_start3A_106 : memref<!tpu.dma_semaphore, #tpu.memory_space<semaphore_mem>>)
    }
    %scan3A_14 = arith.constant 50 : i32
    %dma_wait3A = arith.constant 0 : i32
    %dma_wait3A_15 = arith.constant 0 : i32
    %dma_wait3A_16 = arith.constant 0 : i32
    %dma_wait3A_17 = arith.constant 0 : i32
    %dma_wait3A_18 = arith.constant 0 : i32
    %dma_wait3A_19 = arith.constant 0 : i32
    %dma_wait3A_20 = arith.constant 0 : i32
    %dma_wait3A_21 = tpu.memref_slice %arg5[%dma_wait3A_18, %dma_wait3A_19, %dma_wait3A_20] : memref<8x80x80xf32, #tpu.memory_space<vmem>> -> memref<4x80x80xf32, #tpu.memory_space<vmem>>
    %dma_wait3A_22 = arith.constant 0 : i32
    %dma_wait3A_23 = arith.constant 0 : i32
    %dma_wait3A_24 = arith.constant 0 : i32
    %dma_wait3A_25 = tpu.memref_slice %arg3[%dma_wait3A, %dma_wait3A_15, %dma_wait3A_16, %dma_wait3A_22, %dma_wait3A_23, %dma_wait3A_24] : memref<1x1x80x80x80x80xf32, #tpu.memory_space<hbm>> -> memref<1x1x1x4x80x80xf32, #tpu.memory_space<hbm>>
    %dma_wait3A_26 = tpu.memref_squeeze %dma_wait3A_25 : memref<1x1x1x4x80x80xf32, #tpu.memory_space<hbm>> -> memref<4x80x80xf32, #tpu.memory_space<hbm>>
    %dma_wait3A_27 = tpu.memref_slice %arg6[%dma_wait3A_17] : memref<2x!tpu.dma_semaphore, #tpu.memory_space<semaphore_mem>> -> memref<1x!tpu.dma_semaphore, #tpu.memory_space<semaphore_mem>>
    %dma_wait3A_28 = tpu.memref_squeeze %dma_wait3A_27 : memref<1x!tpu.dma_semaphore, #tpu.memory_space<semaphore_mem>> -> memref<!tpu.dma_semaphore, #tpu.memory_space<semaphore_mem>>
    %dma_wait3A_29 = arith.constant 0 : i32
    %dma_wait3A_30 = arith.constant 0 : i32
    %dma_wait3A_31 = arith.constant 0 : i32
    %dma_wait3A_32 = tpu.memref_slice %arg3[%dma_wait3A, %dma_wait3A_15, %dma_wait3A_16, %dma_wait3A_29, %dma_wait3A_30, %dma_wait3A_31] : memref<1x1x80x80x80x80xf32, #tpu.memory_space<hbm>> -> memref<1x1x1x4x80x80xf32, #tpu.memory_space<hbm>>
    %dma_wait3A_33 = tpu.memref_squeeze %dma_wait3A_32 : memref<1x1x1x4x80x80xf32, #tpu.memory_space<hbm>> -> memref<4x80x80xf32, #tpu.memory_space<hbm>>
    %dma_wait3A_34 = arith.constant 0 : i32
    %dma_wait3A_35 = arith.constant 0 : i32
    %dma_wait3A_36 = arith.constant 0 : i32
    %dma_wait3A_37 = tpu.memref_slice %arg5[%dma_wait3A_34, %dma_wait3A_35, %dma_wait3A_36] : memref<8x80x80xf32, #tpu.memory_space<vmem>> -> memref<4x80x80xf32, #tpu.memory_space<vmem>>
    tpu.wait_dma2 semaphore(%dma_wait3A_28 : memref<!tpu.dma_semaphore, #tpu.memory_space<semaphore_mem>>) src(%dma_wait3A_37 : memref<4x80x80xf32, #tpu.memory_space<vmem>>) dst(%dma_wait3A_33 : memref<4x80x80xf32, #tpu.memory_space<hbm>>)
    %dma_wait3A_38 = arith.constant 0 : i32
    %dma_wait3A_39 = arith.constant 0 : i32
    %dma_wait3A_40 = arith.constant 0 : i32
    %dma_wait3A_41 = arith.constant 1 : i32
    %dma_wait3A_42 = arith.constant 0 : i32
    %dma_wait3A_43 = arith.constant 0 : i32
    %dma_wait3A_44 = arith.constant 0 : i32
    %dma_wait3A_45 = tpu.memref_slice %arg5[%dma_wait3A_42, %dma_wait3A_43, %dma_wait3A_44] : memref<8x80x80xf32, #tpu.memory_space<vmem>> -> memref<4x80x80xf32, #tpu.memory_space<vmem>>
    %dma_wait3A_46 = arith.constant 0 : i32
    %dma_wait3A_47 = arith.constant 0 : i32
    %dma_wait3A_48 = arith.constant 0 : i32
    %dma_wait3A_49 = tpu.memref_slice %arg3[%dma_wait3A_38, %dma_wait3A_39, %dma_wait3A_40, %dma_wait3A_46, %dma_wait3A_47, %dma_wait3A_48] : memref<1x1x80x80x80x80xf32, #tpu.memory_space<hbm>> -> memref<1x1x1x4x80x80xf32, #tpu.memory_space<hbm>>
    %dma_wait3A_50 = tpu.memref_squeeze %dma_wait3A_49 : memref<1x1x1x4x80x80xf32, #tpu.memory_space<hbm>> -> memref<4x80x80xf32, #tpu.memory_space<hbm>>
    %dma_wait3A_51 = tpu.memref_slice %arg6[%dma_wait3A_41] : memref<2x!tpu.dma_semaphore, #tpu.memory_space<semaphore_mem>> -> memref<1x!tpu.dma_semaphore, #tpu.memory_space<semaphore_mem>>
    %dma_wait3A_52 = tpu.memref_squeeze %dma_wait3A_51 : memref<1x!tpu.dma_semaphore, #tpu.memory_space<semaphore_mem>> -> memref<!tpu.dma_semaphore, #tpu.memory_space<semaphore_mem>>
    %dma_wait3A_53 = arith.constant 0 : i32
    %dma_wait3A_54 = arith.constant 0 : i32
    %dma_wait3A_55 = arith.constant 0 : i32
    %dma_wait3A_56 = tpu.memref_slice %arg3[%dma_wait3A_38, %dma_wait3A_39, %dma_wait3A_40, %dma_wait3A_53, %dma_wait3A_54, %dma_wait3A_55] : memref<1x1x80x80x80x80xf32, #tpu.memory_space<hbm>> -> memref<1x1x1x4x80x80xf32, #tpu.memory_space<hbm>>
    %dma_wait3A_57 = tpu.memref_squeeze %dma_wait3A_56 : memref<1x1x1x4x80x80xf32, #tpu.memory_space<hbm>> -> memref<4x80x80xf32, #tpu.memory_space<hbm>>
    %dma_wait3A_58 = arith.constant 0 : i32
    %dma_wait3A_59 = arith.constant 0 : i32
    %dma_wait3A_60 = arith.constant 0 : i32
    %dma_wait3A_61 = tpu.memref_slice %arg5[%dma_wait3A_58, %dma_wait3A_59, %dma_wait3A_60] : memref<8x80x80xf32, #tpu.memory_space<vmem>> -> memref<4x80x80xf32, #tpu.memory_space<vmem>>
    tpu.wait_dma2 semaphore(%dma_wait3A_52 : memref<!tpu.dma_semaphore, #tpu.memory_space<semaphore_mem>>) src(%dma_wait3A_61 : memref<4x80x80xf32, #tpu.memory_space<vmem>>) dst(%dma_wait3A_57 : memref<4x80x80xf32, #tpu.memory_space<hbm>>)
    return
  }
}

</mosaic_0001>

<sc_bundles>
// kernel: kernel.3.cloned.1.call-start
scs
__scs_entry_jumppad:
0x0: {  	(pc) =	sbr.rel $0x88, $3  }
0x1: {  	(tag) =	ssettag $0x0;
	lr =	simm.s32 $0x1  }
0x2: {  	[smem:$0x3FA0] =	sst lr;
	_ =	strace $0xD0000000  }
0x3: {  	_ = 	snop  }
0x4: {  	_ = 	snop  }
0x5: {  	_ = 	snop  }
0x6: {  	_ = 	snop  }
0x7: {  	_ = 	snop  }
__scs_overlays_trampoline_lowered:
0x8: {  	[smem:$0x3FAF] =	sst s0  }
0x9: {  	[smem:$0x3FB0] =	sst s1  }
0xa: {  	[smem:$0x3FB1] =	sst s2  }
0xb: {  	[smem:$0x3FB2] =	sst s3  }
0xc: {  	[smem:$0x3FB3] =	sst s4  }
0xd: {  	[smem:$0x3FB4] =	sst s5  }
0xe: {  	[smem:$0x3FB5] =	sst s6  }
0xf: {  	[smem:$0x3FB6] =	sst s7  }
0x10: {  	[smem:$0x3FB7] =	sst s8  }
0x11: {  	[smem:$0x3FB8] =	sst s9;
	s0 =	simm.s32 @!p0 $0x0  }
0x12: {  	s1 =	sld [smem:$0x3F9E];
	s0 =	simm.s32 @p0 $0x1  }
0x13: {  	[smem:$0x3FB9] =	sst s0;
	s0 =	simm.s32 @!p1 $0x0  }
0x14: {  	s2 =	sld [smem:$0x3F9D];
	s0 =	simm.s32 @p1 $0x1  }
0x15: {  	[smem:$0x3FBA] =	sst s0;
	s0 =	simm.s32 @!p2 $0x0  }
0x16: {  	s3 =	sld [smem:$0x3FDB];
	s0 =	simm.s32 @p2 $0x1  }
0x17: {  	s4 =	simm.s32 $0x1BF5;
	[smem:$0x3FBC] =	sst s0  }
0x18: {  	s0 =	sld [smem:$0x3F9F];
	_ =	swait.ge [sflag:s4], $0x0  }
0x19: {  	s7 =	sld [smem:$0x3FA0]  }
0x1a: {  	s8 =	sadd.s32 $0xFFFFE003, lr  }
0x1b: {  	s9 =	sadd.s32 $0xFFFFFEF7, lr;
	s5 =	simm.s32 $0xFFFFFFFF;
	p2 =	slt.u32 s8, $0xFFFFF086  }
0x1c: {  	p1 =	slt.u32 s9, $0xF7A;
	s5 =	simm.s32 @!p2 $0x0  }
0x1d: {  	s5 =	simm.s32 @p1 $0x1;
	p0 =	seq.s32 s7, s2  }
0x1e: {  	s7 =	smul.u32 @!p0 $0xF7A, s2;
	p2 =	seq.s32 @!p0 s5, $0x0  }
0x1f: {  	s9 =	smul.u32 $0xF7A, s1;
	s8 =	simm.s32 @!p0 $0x1BF5;
	p2 =	por !p2, p0  }
0x20: {  	[sflag:s8] =	ssyncset.s32 @!p0 $0xFFFFF086;
	s6 =	sadd.s32 @!p0 s3, s7;
	s7 =	simm.s32 @!p0 $0x108  }
0x21: {  	s3 =	sadd.s32 s3, s9;
	s6 =	sadd.s32 @!p0 $0x88, s6;
	s7 =	simm.s32 @p2 $0x1082  }
0x22: {  	[simem:s7], [sflag:s8] =	dma.local @!p0 [hbm:s6], $0xF7A  }
0x23: {  	s9 =	sor.u32 $0xD0000000, s2;
	s6 =	simm.s32 $0x108;
	_ =	swait.ge @!p0 [sflag:s8], $0x0  }
0x24: {  	s3 =	sadd.s32 $0x88, s3;
	s6 =	simm.s32 @!p1 $0x1082;
	[sflag:s4] =	ssyncset.s32 $0xFFFFF086  }
0x25: {  	[simem:s6], [sflag:s4] =	dma.local [hbm:s3], $0xF7A  }
0x26: {  	[smem:$0x3FA0] =	sst s1;
	(tag) =	ssettag s2;
	_ =	strace s9  }
0x27: {  	s1 =	sld [smem:$0x3FB0]  }
0x28: {  	s2 =	sld [smem:$0x3FB1]  }
0x29: {  	s4 =	sld [smem:$0x3FB3]  }
0x2a: {  	p0 =	seq.s32 s5, $0x0;
	s5 =	sld [smem:$0x3FB4]  }
0x2b: {  	s6 =	sld [smem:$0x3FB5]  }
0x2c: {  	s7 =	sld [smem:$0x3FB6]  }
0x2d: {  	s3 =	simm.s32 $0x108;
	s8 =	sld [smem:$0x3FB7]  }
0x2e: {  	s3 =	simm.s32 @!p0 $0x1082;
	s9 =	sld [smem:$0x3FB8]  }
0x2f: {  	lr =	sadd.s32 s0, s3;
	s0 =	sld [smem:$0x3FAF]  }
0x30: {  	s3 =	sld [smem:$0x3FB2]  }
0x31: {  	[smem:$0x3FBB] =	sst s10  }
0x32: {  	s10 =	sld [smem:$0x3FB9];
	_ =	sdelay $0x3  }
0x33: {  	p0 =	seq.s32 s10, $0x1;
	s10 =	sld [smem:$0x3FBB];
	_ =	sdelay $0x3  }
0x34: {  	[smem:$0x3FBB] =	sst s10  }
0x35: {  	s10 =	sld [smem:$0x3FBA];
	_ =	sdelay $0x3  }
0x36: {  	p1 =	seq.s32 s10, $0x1;
	s10 =	sld [smem:$0x3FBB];
	_ =	sdelay $0x3  }
0x37: {  	[smem:$0x3FBB] =	sst s10  }
0x38: {  	s10 =	sld [smem:$0x3FBC]  }
0x39: {  	_ = 	snop;
	(pc) =	sbr.ind lr, $3  }
0x3a: {  	_ = 	snop  }
0x3b: {  	_ = 	snop  }
0x3c: {  	p2 =	seq.s32 s10, $0x1;
	s10 =	sld [smem:$0x3FBB]  }
0x3d: {  	_ =	shalt  }
0x3e: {  	_ =	shalt  }
0x3f: {  	_ =	shalt  }
0x40: {  	_ =	shalt  }
0x41: {  	_ =	shalt  }
0x42: {  	_ =	shalt  }
0x43: {  	_ =	shalt  }
0x44: {  	_ =	shalt  }
0x45: {  	_ =	shalt  }
0x46: {  	_ =	shalt  }
0x47: {  	_ =	shalt  }
0x48: {  	_ =	shalt  }
0x49: {  	_ =	shalt  }
0x4a: {  	_ =	shalt  }
0x4b: {  	_ =	shalt  }
0x4c: {  	_ =	shalt  }
0x4d: {  	_ =	shalt  }
0x4e: {  	_ =	shalt  }
0x4f: {  	_ =	shalt  }
0x50: {  	_ =	shalt  }
0x51: {  	_ =	shalt  }
0x52: {  	_ =	shalt  }
0x53: {  	_ =	shalt  }
0x54: {  	_ =	shalt  }
0x55: {  	_ =	shalt  }
0x56: {  	_ =	shalt  }
0x57: {  	_ =	shalt  }
0x58: {  	_ =	shalt  }
0x59: {  	_ =	shalt  }
0x5a: {  	_ =	shalt  }
0x5b: {  	_ =	shalt  }
0x5c: {  	_ =	shalt  }
0x5d: {  	_ =	shalt  }
0x5e: {  	_ =	shalt  }
0x5f: {  	_ =	shalt  }
0x60: {  	_ =	shalt  }
0x61: {  	_ =	shalt  }
0x62: {  	_ =	shalt  }
0x63: {  	_ =	shalt  }
0x64: {  	_ =	shalt  }
0x65: {  	_ =	shalt  }
0x66: {  	_ =	shalt  }
0x67: {  	_ =	shalt  }
0x68: {  	_ =	shalt  }
0x69: {  	_ =	shalt  }
0x6a: {  	_ =	shalt  }
0x6b: {  	_ =	shalt  }
0x6c: {  	_ =	shalt  }
0x6d: {  	_ =	shalt  }
0x6e: {  	_ =	shalt  }
0x6f: {  	_ =	shalt  }
0x70: {  	_ =	shalt  }
0x71: {  	_ =	shalt  }
0x72: {  	_ =	shalt  }
0x73: {  	_ =	shalt  }
0x74: {  	_ =	shalt  }
0x75: {  	_ =	shalt  }
0x76: {  	_ =	shalt  }
0x77: {  	_ =	shalt  }
0x78: {  	_ =	shalt  }
0x79: {  	_ =	shalt  }
0x7a: {  	_ =	shalt  }
0x7b: {  	_ =	shalt  }
0x7c: {  	_ =	shalt  }
0x7d: {  	_ =	shalt  }
0x7e: {  	_ =	shalt  }
0x7f: {  	_ =	shalt  }
0x80: {  	_ =	shalt  }
0x81: {  	_ =	shalt  }
0x82: {  	_ =	shalt  }
0x83: {  	_ =	shalt  }
0x84: {  	_ =	shalt  }
0x85: {  	_ =	shalt  }
0x86: {  	_ =	shalt  }
0x87: {  	_ =	shalt  }
.Lfunc_end0:
.L_simem_size_0:
called_computation_lowered:
.L_overlay_start_0:
0x88: {  	s2 =	sld [smem:$0x3FD9]  }
0x89: {  	s3 =	sld [smem:$0x3FFE];
	_ =	sdelay $0x1  }
0x8a: {  	s1 =	srdreg.scid  }
0x8b: {  	s0 =	sand.u32 $0x1, s1  }
0x8c: {  	s17 =	sshll.u32 s0, $0xA;
	s2 =	sadd.s32 s3, s2  }
0x8d: {  	s2 =	sadd.s32 s2, s17  }
0x8e: {  	[smem:$0x3FC7] =	sst s2  }
0x8f: {  	_ = 	snop  }
0x90: {  	s2 =	sld [smem:$0x3FD0];
	(tm) =	ssettm $0x1  }
0x91: {  	s18 =	sld [smem:$0x3FFB];
	_ =	sdelay $0x3  }
0x92: {  	_ =	strace s18  }
0x93: {  	s3 =	sld [smem:$0x3FFC];
	_ =	sdelay $0x3  }
0x94: {  	_ =	strace s3  }
0x95: {  	s3 =	sld [smem:$0x3FFD];
	_ =	sdelay $0x3  }
0x96: {  	_ =	strace s3  }
0x97: {  	_ =	strace $0x8FFFFFFF  }
0x98: {  	s19 =	sld [smem:$0x3FDB];
	_ =	sdelay $0x1  }
0x99: {  	s4 =	simm.s32 $_scs_section_size  }
0x9a: {  	s5 =	simm.s32 $_size__tile_overlayer_lowered;
	s6 =	simm.s32 $_tile_overlayer_lowered  }
0x9b: {  	s22 =	simm.s32 $0x1BFF;
	s21 =	sshll.u32 s6, $0x1;
	s3 =	sadd.s32 s4, s19  }
0x9c: {  	s7 =	simm.s32 $0x0;
	s20 =	sshll.u32 s5, $0x1;
	s5 =	sadd.s32 s21, s3  }
0x9d: {  	[timem:s7], [sflag:s22] =	dma.local [hbm:s5], s20  }
0x9e: {  	_ =	swait.ge [sflag:s22], s20  }
0x9f: {  	s4 =	ssub.s32 $0x0, s20;
	[sflag:s22] =	ssyncset.done $0x0  }
0xa0: {  	[sflag:s22] =	ssyncadd.s32 s4;
	_ =	sdelay $0x1  }
0xa1: {  	s23 =	simm.s32 $0x1B8B  }
0xa2: {  	_ =	swait.ge [sflag:s23], $0x1  }
0xa3: {  	[sflag:s23] =	ssyncset.done $0x0  }
0xa4: {  	s25 =	simm.s32 $0x1B8E;
	s24 =	sld [smem:$0x3FFE];
	[sflag:s23] =	ssyncadd.s32 $0xFFFFFFFF  }
0xa5: {  	s26 =	simm.s32 $execute0_lowered;
	[smem:$0x3FD2] =	sst s25  }
0xa6: {  	s5 =	sshll.u32 s26, $0x1;
	_ =	strace $0x80000046;
	[dreg:$0x1] =	wrdreg $0xFFFFFFFF  }
0xa7: {  	s28 =	simm.s32 $_size_execute0_lowered;
	s3 =	sadd.s32 s3, s5;
	[dreg:$0x0] =	wrdreg $0x0  }
0xa8: {  	s5 =	sshll.u32 s28, $0x1;
	[dreg:$0x2] =	wrdreg s3  }
0xa9: {  	[dreg:$0x3] =	wrdreg s5  }
0xaa: {  	[dreg:$0x4] =	wrdreg $0xC0  }
0xab: {  	_ =	task [dreg:s7], $0x5FFFF  }
0xac: {  	[dreg:$0x1] =	wrdreg $0xFFFFFFFF  }
0xad: {  	[dreg:$0x0] =	wrdreg $0x60  }
0xae: {  	[dreg:$0x2] =	wrdreg s24  }
0xaf: {  	[dreg:$0x3] =	wrdreg s2  }
0xb0: {  	[dreg:$0x4] =	wrdreg $0x9  }
0xb1: {  	_ =	task.clear_ibuf [dreg:s7], $0x5FFFF;
	_ =	strace $0x90000046  }
0xb2: {  	s29 =	simm.s32 $0x9;
	_ =	strace $0x80000048  }
0xb3: {  	_ =	swait.ge [sflag:s29], $0x1  }
0xb4: {  	[sflag:s29] =	ssyncadd.s32 $0xFFFFFFFF  }
0xb5: {  	_ =	strace $0x90000048  }
0xb6: {  	_ =	sfence  }
0xb7: {  	s30 =	sld [smem:$0x0];
	_ =	sdelay $0x2  }
0xb8: {  	s31 =	sshll.u32 s1, $0xD;
	s1 =	sshrl.u32 s1, $0x2  }
0xb9: {  	s3 =	sand.u32 $0x4000, s31;
	s1 =	sadd.s32 s1, s30  }
0xba: {  	s0 =	sor.u32 s3, s0;
	s1 =	sshll.u32 s1, $0x11  }
0xbb: {  	s0 =	sor.u32 s1, s0  }
0xbc: {  	s0 =	sadd.s32 $0x8F2B, s0  }
0xbd: {  	[sflag:s0] =	ssyncadd.remote.s32 $0x1  }
0xbe: {  	_ =	sfence.sel $0xFFFF  }
0xbf: {  	[dreg:$0x0] =	wrdreg $0xFFFFFFFF;
	(pc) =	sbr.abs _section_cstart, $3  }
0xc0: {  	[dreg:$0x1] =	wrdreg $0xFFFFFFFF  }
0xc1: {  	_ =	task.clear_ibuf [dreg:s7], $0x2FFFF;
	_ =	strace $0x9FFFFFFF  }
0xc2: {  	(tm) =	ssettm $0x7FFFFFFF  }
0xc3: {  	_ =	shalt  }
tec
execute0_lowered:
.L_overlay_start_1:
0x0: {  	(tag) =	ssettag $0x1  }
0x1: {  	s0 =	rddreg [dreg:$0x0]  }
0x2: {  	s2 =	rddreg [dreg:$0x1];
	s9 =	stileid.u32  }
0x3: {  	s3 =	simm.s32 $0x0;
	s1 =	srdreg.scid;
	s4 =	smul.u32 $0x3520, s9  }
0x4: {  	s1 =	sand.u32 $0x1, s1;
	s8 =	sshll.u32 s9, $0x1;
	s9 =	smul.u32 $0x190, s9  }
0x5: {  	[smem:$0x7FF] =	sst s3;
	s6 =	smul.u32 $0x1A90, s1  }
0x6: {  	s5 =	ssub.s32 $0x2, s1;
	s28 =	sor.u32 s1, s8;
	s1 =	smul.u32 $0xC8, s1  }
.Ltmp0:
0x7: {  	s0 =	sadd.s32 $0x800, s0;
	_ =	strace $0x80000047;
	(pc) =	sbr.rel .LBB2_1-.Ltmp0, $4  }
0x8: {  	[dreg:$0x3] =	wrdreg s0;
	s7 =	sshrl.u32 s5, $0x1;
	s30 =	sadd.s32 s6, s4  }
0x9: {  	s7 =	ssub.s32 s5, s7;
	s31 =	sadd.s32 s1, s9;
	[dreg:$0x5] =	wrdreg s30  }
0xa: {  	s29 =	smax.u32 s7, $0x1;
	[dreg:$0x6] =	wrdreg s31  }
0xb: {  	v0 =	vimm.f32 $0.0e+00;
	s12 =	simm.s32 $0x0;
	s5 =	smul.u32 $0xC8, s28;
	[dreg:$0x4] =	wrdreg s29  }
.LBB2_20:
0xc: {  	s0 =	simm.s32 $0x1  }
0xd: {  	_ =	swait.ge [sflag:s0], $0xA000  }
0xe: {  	[sflag:s0] =	ssyncset.done $0x0  }
0xf: {  	s1 =	simm.s32 $0x2;
	[sflag:s0] =	ssyncadd.s32 $0xFFFF6000  }
0x10: {  	_ =	swait.ge [sflag:s1], $0xA000  }
0x11: {  	s12 =	sadd.s32 $0x1, s12;
	s31 =	rddreg [dreg:$0x4]  }
0x12: {  	p0 =	sne.s32 s12, s31  }
.Ltmp1:
0x13: {  	_ = 	snop;
	(pc) =	sbr.rel @!p0 .LBB2_21-.Ltmp1, $3  }
0x14: {  	_ =	sdelay $0x1  }
0x15: {  	[sflag:s1] =	ssyncset.done $0x0  }
0x16: {  	[sflag:s1] =	ssyncadd.s32 $0xFFFF6000  }
.LBB2_1:
0x17: {  	s0 =	rddreg [dreg:$0x3];
	s31 =	simm.s32 $0x3  }
0x18: {  	[tilespmem:s3], [sflag:$0x3] =	stream.linear.gather [hbm4b:s0+s3], $0xAA00, $0x38;
	[tilespmem:$0x1EC00] =	vst v63  }
0x19: {  	_ =	swait.ge [sflag:s31], $0xAA00  }
0x1a: {  	[sflag:s31] =	ssyncset.done $0x0  }
0x1b: {  	s13 =	simm.s32 $0x0;
	s0 =	simm.s32 $0x200;
	[sflag:s31] =	ssyncadd.s32 $0xFFFF5600  }
.LBB2_2:
0x1c: {  	p0 =	sne.s32 s0, $0x9E00;
	[tilespmem:s13+$0x1C440] =	vst v0  }
0x1d: {  	[tilespmem:s13+$0xAC00] =	vst v0  }
0x1e: {  	[tilespmem:s13+$0xAC10] =	vst v0  }
0x1f: {  	[tilespmem:s13+$0xAC20] =	vst v0  }
0x20: {  	[tilespmem:s13+$0xAC30] =	vst v0  }
0x21: {  	[tilespmem:s13+$0xAC40] =	vst v0  }
0x22: {  	[tilespmem:s13+$0xD400] =	vst v0  }
0x23: {  	[tilespmem:s13+$0xD410] =	vst v0  }
0x24: {  	[tilespmem:s13+$0xD420] =	vst v0  }
0x25: {  	[tilespmem:s13+$0xD430] =	vst v0  }
0x26: {  	[tilespmem:s13+$0xD440] =	vst v0  }
0x27: {  	[tilespmem:s13+$0xFC00] =	vst v0  }
0x28: {  	[tilespmem:s13+$0xFC10] =	vst v0  }
0x29: {  	[tilespmem:s13+$0xFC20] =	vst v0  }
0x2a: {  	[tilespmem:s13+$0xFC30] =	vst v0  }
0x2b: {  	[tilespmem:s13+$0xFC40] =	vst v0  }
0x2c: {  	[tilespmem:s13+$0x12400] =	vst v0  }
0x2d: {  	[tilespmem:s13+$0x12410] =	vst v0  }
0x2e: {  	[tilespmem:s13+$0x12420] =	vst v0  }
0x2f: {  	[tilespmem:s13+$0x12430] =	vst v0  }
0x30: {  	[tilespmem:s13+$0x12440] =	vst v0  }
0x31: {  	[tilespmem:s13+$0x14C00] =	vst v0  }
0x32: {  	[tilespmem:s13+$0x14C10] =	vst v0  }
0x33: {  	[tilespmem:s13+$0x14C20] =	vst v0  }
0x34: {  	[tilespmem:s13+$0x14C30] =	vst v0  }
0x35: {  	[tilespmem:s13+$0x14C40] =	vst v0  }
0x36: {  	[tilespmem:s13+$0x17400] =	vst v0  }
0x37: {  	[tilespmem:s13+$0x17410] =	vst v0  }
0x38: {  	[tilespmem:s13+$0x17420] =	vst v0  }
0x39: {  	[tilespmem:s13+$0x17430] =	vst v0  }
0x3a: {  	[tilespmem:s13+$0x17440] =	vst v0  }
0x3b: {  	[tilespmem:s13+$0x19C00] =	vst v0  }
0x3c: {  	[tilespmem:s13+$0x19C10] =	vst v0  }
0x3d: {  	[tilespmem:s13+$0x19C20] =	vst v0  }
0x3e: {  	[tilespmem:s13+$0x19C30] =	vst v0  }
.Ltmp2:
0x3f: {  	[tilespmem:s13+$0x19C40] =	vst v0;
	(pc) =	sbr.rel @p0 .LBB2_2-.Ltmp2, $4  }
0x40: {  	[tilespmem:s13+$0x1C400] =	vst v0  }
0x41: {  	[tilespmem:s13+$0x1C410] =	vst v0  }
0x42: {  	[tilespmem:s13+$0x1C420] =	vst v0  }
0x43: {  	[tilespmem:s13+$0x1C430] =	vst v0;
	s13 =	sshra.s32 s0, $0x2;
	s0 =	sadd.s32 $0x200, s0  }
0x44: {  	[tilespmem:s13+$0x1C440] =	vst v0  }
0x45: {  	[tilespmem:s13+$0xAC00] =	vst v0  }
0x46: {  	[tilespmem:s13+$0xAC10] =	vst v0  }
0x47: {  	[tilespmem:s13+$0xAC20] =	vst v0  }
0x48: {  	[tilespmem:s13+$0xAC30] =	vst v0  }
0x49: {  	[tilespmem:s13+$0xAC40] =	vst v0  }
0x4a: {  	[tilespmem:s13+$0xD400] =	vst v0  }
0x4b: {  	[tilespmem:s13+$0xD410] =	vst v0  }
0x4c: {  	[tilespmem:s13+$0xD420] =	vst v0  }
0x4d: {  	[tilespmem:s13+$0xD430] =	vst v0  }
0x4e: {  	[tilespmem:s13+$0xD440] =	vst v0  }
0x4f: {  	[tilespmem:s13+$0xFC00] =	vst v0  }
0x50: {  	[tilespmem:s13+$0xFC10] =	vst v0  }
0x51: {  	[tilespmem:s13+$0xFC20] =	vst v0  }
0x52: {  	[tilespmem:s13+$0xFC30] =	vst v0  }
0x53: {  	[tilespmem:s13+$0xFC40] =	vst v0  }
0x54: {  	[tilespmem:s13+$0x12400] =	vst v0  }
0x55: {  	[tilespmem:s13+$0x12410] =	vst v0  }
0x56: {  	[tilespmem:s13+$0x12420] =	vst v0  }
0x57: {  	[tilespmem:s13+$0x12430] =	vst v0  }
0x58: {  	[tilespmem:s13+$0x12440] =	vst v0  }
0x59: {  	[tilespmem:s13+$0x14C00] =	vst v0  }
0x5a: {  	[tilespmem:s13+$0x14C10] =	vst v0  }
0x5b: {  	[tilespmem:s13+$0x14C20] =	vst v0  }
0x5c: {  	[tilespmem:s13+$0x14C30] =	vst v0  }
0x5d: {  	[tilespmem:s13+$0x14C40] =	vst v0  }
0x5e: {  	[tilespmem:s13+$0x17400] =	vst v0  }
0x5f: {  	[tilespmem:s13+$0x17410] =	vst v0  }
0x60: {  	[tilespmem:s13+$0x17420] =	vst v0  }
0x61: {  	[tilespmem:s13+$0x17430] =	vst v0  }
0x62: {  	[tilespmem:s13+$0x17440] =	vst v0  }
0x63: {  	[tilespmem:s13+$0x19C00] =	vst v0  }
0x64: {  	[tilespmem:s13+$0x19C10] =	vst v0  }
0x65: {  	[tilespmem:s13+$0x19C20] =	vst v0  }
0x66: {  	[tilespmem:s13+$0x19C30] =	vst v0  }
.Ltmp3:
0x67: {  	[tilespmem:s13+$0x19C40] =	vst v0;
	(pc) =	sbr.rel .LBB2_4-.Ltmp3, $4  }
0x68: {  	[tilespmem:s13+$0x1C400] =	vst v0  }
0x69: {  	[tilespmem:s13+$0x1C410] =	vst v0  }
0x6a: {  	[tilespmem:s13+$0x1C420] =	vst v0;
	s14 =	rddreg [dreg:$0x6]  }
0x6b: {  	[tilespmem:s13+$0x1C430] =	vst v0;
	s13 =	simm.s32 $0x0;
	p0 =	por $0x0, $0x0;
	s15 =	rddreg [dreg:$0x5]  }
.LBB2_19:
0x6c: {  	s1 =	smul.u32 $0xC8000, s19  }
0x6d: {  	s0 =	sadd.s32 s18, s22;
	s4 =	smul.u32 $0x28000, s17;
	s13 =	sadd.s32 $0x1, s13  }
0x6e: {  	s0 =	smul.u32 $0x2800, s0;
	p1 =	sne.s32 s13, $0x32  }
.Ltmp4:
0x6f: {  	_ = 	snop;
	(pc) =	sbr.rel @!p1 .LBB2_20-.Ltmp4, $4  }
0x70: {  	p0 =	por !p0, !p0;
	s0 =	sadd.s32 s1, s0  }
0x71: {  	s15 =	sadd.s32 $0x88, s15;
	s31 =	sshrl.u32 s4, $0x2;
	s0 =	sshrl.u32 s0, $0x3  }
0x72: {  	s14 =	sadd.s32 $0x4, s14;
	s1 =	sadd.s32 $0xAC00, s31;
	s0 =	sadd.s32 s2, s0  }
0x73: {  	[hbm4b:s0+s3] =	stream.linear.scatter [tilespmem:s1], [sflag:s16], $0xA000, $0x38;
	[tilespmem:$0x1EC00] =	vst v63  }
.LBB2_4:
0x74: {  	p1 =	slt.u32 s13, $0x2  }
.Ltmp5:
0x75: {  	_ = 	snop;
	(pc) =	sbr.rel @p1 .LBB2_10-.Ltmp5, $4  }
0x76: {  	_ = 	snop  }
0x77: {  	s0 =	simm.s32 $0x1  }
0x78: {  	s17 =	sand.u32 $0x1, s13;
	s1 =	sshll.u32 s13, $0x2;
	s0 =	simm.s32 @!p0 $0x0  }
0x79: {  	s18 =	sadd.s32 s5, s1;
	s16 =	sadd.s32 $0x1, s17;
	s23 =	smul.u32 $0x28000, s0  }
.Ltmp6:
0x7a: {  	(pc) =	sbr.rel .LBB2_6-.Ltmp6, $4  }
0x7b: {  	_ = 	snop  }
0x7c: {  	_ =	swait.ge [sflag:s16], $0xA000;
	s21 =	sadd.s32 $0xFFFFFFF8, s18  }
0x7d: {  	s22 =	simm.s32 $0x0;
	s0 =	sshrl.u32 s23, $0x2;
	[sflag:s16] =	ssyncset.done $0x0  }
0x7e: {  	s19 =	sadd.s32 $0xA810, s0;
	s20 =	sadd.s32 $0xA800, s0;
	[sflag:s16] =	ssyncadd.s32 $0xFFFF6000  }
.LBB2_9:
0x7f: {  	s22 =	sadd.s32 $0x1, s22  }
0x80: {  	p1 =	sne.s32 s22, $0x4  }
.Ltmp7:
0x81: {  	_ = 	snop;
	(pc) =	sbr.rel @!p1 .LBB2_10-.Ltmp7, $2  }
0x82: {  	_ =	sdelay $0x2  }
0x83: {  	s19 =	sadd.s32 $0x2800, s19;
	s20 =	sadd.s32 $0x2800, s20  }
.LBB2_6:
0x84: {  	s6 =	sadd.s32 s21, s22  }
0x85: {  	s0 =	smulhi.u32 $0x66666667, s6;
	s1 =	sshra.s32 s6, $0x1F  }
0x86: {  	s1 =	smul.u32 $0x66666667, s1;
	_ =	sdelay $0x1  }
0x87: {  	s0 =	sadd.s32 s1, s0  }
0x88: {  	s1 =	sshrl.u32 s0, $0x1F;
	s0 =	sshra.s32 s0, $0x5  }
0x89: {  	s1 =	sadd.s32 s1, s0  }
0x8a: {  	s0 =	smul.u32 $0xFFFFFFB0, s1  }
0x8b: {  	s4 =	ssub.s32 $0x0, s6  }
0x8c: {  	p1 =	slt.s32 s6, $0x1;
	p2 =	sne.s32 s0, s4  }
0x8d: {  	p1 =	por !p1, !p2  }
0x8e: {  	s0 =	simm.s32 $0x1;
	p1 =	por !p1, !p1  }
0x8f: {  	s0 =	simm.s32 @!p1 $0x0  }
0x90: {  	s7 =	ssub.s32 s1, s0  }
0x91: {  	s0 =	ssub.s32 $0x8, s7;
	s4 =	ssub.s32 $0x58, s7  }
0x92: {  	p2 =	sgt.s32 s0, $0x0;
	p3 =	slt.s32 s4, $0x11  }
0x93: {  	s0 =	simm.s32 @!p2 $0x0;
	s4 =	simm.s32 @!p3 $0x11  }
0x94: {  	p2 =	sle.s32 s4, s0  }
.Ltmp8:
0x95: {  	_ = 	snop;
	(pc) =	sbr.rel @p2 .LBB2_9-.Ltmp8, $1  }
0x96: {  	_ =	sdelay $0x3  }
0x97: {  	s7 =	smul.u32 $0xFFFFFFB0, s7  }
0x98: {  	s6 =	sadd.s32 $0xFFFFFFF8, s6  }
0x99: {  	s7 =	sadd.s32 s7, s6;
	s6 =	sand.u32 $0xF, s6  }
0x9a: {  	s8 =	sshra.s32 s7, $0x1F;
	p2 =	slt.s32 s7, $0x1;
	p3 =	sne.s32 s6, $0x0  }
0x9b: {  	p2 =	por !p2, !p3;
	s30 =	sshrl.u32 s8, $0x1C  }
0x9c: {  	s6 =	sadd.s32 s30, s7;
	p2 =	por !p2, !p2;
	s7 =	simm.s32 $0x1  }
0x9d: {  	s1 =	sadd.s32 s0, s1;
	s6 =	sshra.s32 s6, $0x4;
	s7 =	simm.s32 @!p2 $0x0  }
0x9e: {  	s4 =	ssub.s32 s4, s0;
	s8 =	simm.s32 $0xFFFFFFFF;
	s6 =	ssub.s32 s6, s7  }
0x9f: {  	s8 =	simm.s32 @!p1 $0x0;
	s7 =	sshra.s32 s6, $0x1F;
	p2 =	sgt.s32 s6, $0x0  }
0xa0: {  	s1 =	sadd.s32 s8, s1;
	s7 =	sor.u32 s7, s6;
	s6 =	simm.s32 @!p2 $0x0  }
0xa1: {  	s1 =	sshll.u32 s1, $0x9;
	p1 =	slt.s32 s7, $0x3;
	s6 =	smin.u32 s6, $0x4  }
0xa2: {  	s7 =	simm.s32 @!p1 $0x3;
	s6 =	sshll.u32 s6, $0x6;
	p1 =	sne.s32 s4, $0x1  }
.Ltmp9:
0xa3: {  	s7 =	sshll.u32 s7, $0x6;
	s6 =	sor.u32 s6, s1;
	(pc) =	sbr.rel @!p1 .LBB2_9-.Ltmp9, $4  }
0xa4: {  	s1 =	sadd.s32 s7, s1;
	s6 =	sshra.s32 s6, $0x2  }
0xa5: {  	s31 =	sshra.s32 s1, $0x2;
	s6 =	sadd.s32 s6, s20  }
0xa6: {  	s0 =	sadd.s32 s31, s19;
	[tilespmem:s6+$0x0] =	vst v0  }
0xa7: {  	s1 =	sadd.s32 $0xFFFFFFFF, s4;
	s4 =	sadd.s32 $0x80, s6;
	[tilespmem:s0+$0x0] =	vst v0  }
.LBB2_8:
0xa8: {  	[tilespmem:s4+$0x0] =	vst v0;
	s0 =	sadd.s32 $0x80, s0;
	p1 =	sne.s32 s1, $0x1  }
.Ltmp10:
0xa9: {  	s1 =	sadd.s32 $0xFFFFFFFF, s1;
	[tilespmem:s0+$0x0] =	vst v0;
	(pc) =	sbr.rel @p1 .LBB2_8-.Ltmp10, $2  }
0xaa: {  	_ =	sdelay $0x2  }
0xab: {  	s4 =	sadd.s32 $0x80, s4  }
.Ltmp11:
0xac: {  	_ = 	snop;
	(pc) =	sbr.rel .LBB2_9-.Ltmp11, $1  }
0xad: {  	_ =	sdelay $0x3  }
.LBB2_10:
0xae: {  	s0 =	smulhi.u32 $0x66666667, s18;
	_ =	sdelay $0x1  }
0xaf: {  	s19 =	sshrl.u32 s0, $0x5  }
0xb0: {  	s20 =	ssub.s32 $0x8, s19;
	s21 =	ssub.s32 $0x58, s19  }
0xb1: {  	p1 =	sgt.s32 s20, $0x0;
	p2 =	slt.s32 s21, $0x11  }
0xb2: {  	s20 =	simm.s32 @!p1 $0x0;
	s21 =	simm.s32 @!p2 $0x11  }
0xb3: {  	p1 =	sge.s32 s20, s21  }
.Ltmp12:
0xb4: {  	_ = 	snop;
	(pc) =	sbr.rel @p1 .LBB2_19-.Ltmp12, $2  }
0xb5: {  	_ =	sdelay $0x2  }
0xb6: {  	s22 =	smul.u32 $0xFFFFFFB0, s19  }
0xb7: {  	s0 =	smulhi.u32 $0xCCCCCCCD, s14;
	_ =	sdelay $0x1  }
0xb8: {  	s0 =	sshrl.u32 s0, $0x6  }
0xb9: {  	s1 =	ssub.s32 $0x8, s0  }
0xba: {  	p1 =	sgt.s32 s1, $0x0  }
0xbb: {  	s1 =	simm.s32 @!p1 $0x0  }
0xbc: {  	s4 =	sadd.s32 s0, s1  }
0xbd: {  	s4 =	sshll.u32 s4, $0x9  }
0xbe: {  	s1 =	sshll.u32 s1, $0x1;
	s0 =	smul.u32 $0xAA0, s0;
	s4 =	sadd.s32 s4, s23  }
0xbf: {  	s26 =	simm.s32 $0x0;
	s1 =	sadd.s32 s1, s15;
	s31 =	sshra.s32 s4, $0x2  }
0xc0: {  	s23 =	ssub.s32 s1, s0;
	s24 =	sadd.s32 $0xA810, s31;
	s25 =	sadd.s32 $0xA800, s31  }
.LBB2_12:
0xc1: {  	s0 =	sor.u32 s18, s26  }
0xc2: {  	s0 =	sadd.s32 s22, s0  }
0xc3: {  	s1 =	sadd.s32 $0xFFFFFFF8, s0  }
0xc4: {  	s4 =	sand.u32 $0xF, s1  }
0xc5: {  	p1 =	slt.s32 s0, $0x9;
	s6 =	sshra.s32 s1, $0x1F;
	p2 =	sne.s32 s4, $0x0  }
0xc6: {  	s6 =	sshrl.u32 s6, $0x1C;
	p1 =	por !p1, !p2  }
0xc7: {  	s0 =	sadd.s32 s6, s1;
	s1 =	simm.s32 $0x1;
	p1 =	por !p1, !p1  }
0xc8: {  	s4 =	sshra.s32 s23, $0x1F;
	s0 =	sshra.s32 s0, $0x4;
	s1 =	simm.s32 @!p1 $0x0  }
0xc9: {  	s31 =	sshrl.u32 s4, $0x1D;
	s0 =	ssub.s32 s0, s1  }
0xca: {  	s7 =	sadd.s32 s31, s23;
	s1 =	sshra.s32 s0, $0x1F  }
0xcb: {  	p5 =	slt.s32 s23, $0x1;
	s8 =	sand.u32 $0xFFFFFFF8, s7;
	s1 =	sor.u32 s1, s0  }
0xcc: {  	s9 =	sshrl.u32 s7, $0x3;
	s7 =	sadd.s32 $0x1, s20;
	p1 =	slt.s32 s1, $0x3  }
0xcd: {  	p6 =	sne.s32 s23, s8;
	p2 =	sgt.s32 s0, $0x0;
	s1 =	simm.s32 @!p1 $0x3  }
0xce: {  	s10 =	ssub.s32 s23, s8;
	s0 =	simm.s32 @!p2 $0x0;
	s1 =	sshll.u32 s1, $0x6  }
0xcf: {  	s0 =	smin.u32 s0, $0x4;
	p1 =	por !p5, !p6;
	s1 =	sshra.s32 s1, $0x2  }
0xd0: {  	p1 =	por !p1, !p1;
	s28 =	sadd.s32 s1, s24;
	s1 =	simm.s32 $0x1  }
0xd1: {  	p2 =	slt.u32 s7, s21;
	s0 =	sshll.u32 s0, $0x4;
	s1 =	simm.s32 @!p1 $0x0  }
.Ltmp13:
0xd2: {  	s29 =	sadd.s32 s0, s25;
	s0 =	ssub.s32 s9, s1;
	(pc) =	sbr.rel @!p2 .LBB2_13-.Ltmp13, $4  }
0xd3: {  	s11 =	sshll.u32 s10, $0x4;
	s0 =	sshll.u32 s0, $0x9  }
0xd4: {  	s30 =	sadd.s32 $0x2, s23;
	s6 =	sand.u32 $0xFFFFFF80, s11;
	s0 =	sshra.s32 s0, $0x2  }
0xd5: {  	p1 =	por $0x0, $0x0;
	s1 =	sand.u32 $0x60, s11;
	s0 =	sadd.s32 s6, s0  }
0xd6: {  	s9 =	sxor.u32 $0xFFFFFFFF, s23;
	s6 =	sor.u32 $0x1, s23;
	s8 =	sor.u32 s1, s0  }
0xd7: {  	s0 =	sshra.s32 s30, $0x1F  }
0xd8: {  	s9 =	sshrl.u32 s9, $0x1F;
	p1 =	slt.s32 s30, $0x1;
	s11 =	sadd.s32 s31, s6  }
0xd9: {  	s6 =	sshll.u32 s6, $0x4;
	s31 =	sadd.s32 $0x1, s7;
	s4 =	sadd.s32 s9, s4  }
0xda: {  	s10 =	sshra.s32 s11, $0x3;
	p2 =	sne.s32 s4, $0x1;
	s4 =	simm.s32 $0x1  }
0xdb: {  	v1 =	vld [tilespmem:s8+$0x0];
	s1 =	sshrl.u32 s0, $0x1D;
	s8 =	sshll.u32 s10, $0x7;
	s4 =	simm.s32 @!p2 $0x0  }
0xdc: {  	s11 =	sadd.s32 s1, s30;
	s8 =	ssub.s32 s6, s8;
	s4 =	ssub.s32 s10, s4  }
0xdd: {  	s6 =	sand.u32 $0x70, s6;
	s10 =	sand.u32 $0xFFFFFFF8, s11;
	s4 =	sshll.u32 s4, $0x9  }
0xde: {  	s8 =	sand.u32 $0xFFFFFF80, s8;
	p6 =	sne.s32 s30, s10;
	s4 =	sshra.s32 s4, $0x2  }
0xdf: {  	p2 =	slt.u32 s31, s21;
	p1 =	por !p1, !p6;
	s4 =	sadd.s32 s8, s4  }
0xe0: {  	[tilespmem:s29+$0x0] =	vst v1;
	p1 =	por !p1, !p1;
	s4 =	sor.u32 s6, s4;
	s6 =	simm.s32 $0x1  }
0xe1: {  	s9 =	ssub.s32 s30, s10;
	s8 =	sshrl.u32 s11, $0x3;
	s6 =	simm.s32 @!p1 $0x0;
	v1 =	vld [tilespmem:s4+$0x0]  }
.Ltmp14:
0xe2: {  	s29 =	sadd.s32 $0x80, s29;
	s6 =	ssub.s32 s8, s6;
	(pc) =	sbr.rel @!p2 .LBB2_15-.Ltmp14, $4  }
0xe3: {  	s10 =	sshll.u32 s9, $0x4;
	s9 =	sxor.u32 $0xFFFFFFFF, s30;
	s6 =	sshll.u32 s6, $0x9  }
0xe4: {  	s11 =	sand.u32 $0xFFFFFF80, s10;
	s7 =	sand.u32 $0x60, s10;
	s6 =	sshra.s32 s6, $0x2  }
0xe5: {  	s4 =	sadd.s32 $0x2, s30;
	p1 =	por $0x1, $0x1;
	s8 =	sadd.s32 s11, s6  }
0xe6: {  	s6 =	sor.u32 $0x1, s30;
	s30 =	smov.u32 s28;
	s8 =	sor.u32 s7, s8;
	[tilespmem:s28+$0x0] =	vst v1  }
.LBB2_16:
0xe7: {  	s7 =	sshra.s32 s4, $0x1F;
	p3 =	slt.s32 s4, $0x1;
	v1 =	vld [tilespmem:s8+$0x0];
	s8 =	sshrl.u32 s9, $0x1F  }
0xe8: {  	s9 =	smov.u32 s4;
	s1 =	sadd.s32 s1, s6;
	s10 =	sshrl.u32 s7, $0x1D  }
0xe9: {  	s0 =	sadd.s32 s8, s0;
	s8 =	sshll.u32 s6, $0x4;
	s11 =	sadd.s32 s10, s4  }
0xea: {  	p2 =	sne.s32 s0, $0x1;
	s0 =	sshra.s32 s1, $0x3;
	s1 =	simm.s32 $0x1  }
0xeb: {  	s31 =	sadd.s32 $0x1, s31;
	s6 =	sand.u32 $0xFFFFFFF8, s11;
	s1 =	simm.s32 @!p2 $0x0  }
0xec: {  	p4 =	sne.s32 s4, s6;
	s1 =	ssub.s32 s0, s1;
	s0 =	sshll.u32 s0, $0x7  }
0xed: {  	p2 =	slt.u32 s31, s21;
	s0 =	ssub.s32 s8, s0;
	s1 =	sshll.u32 s1, $0x9  }
0xee: {  	p3 =	por !p3, !p4;
	s0 =	sand.u32 $0xFFFFFF80, s0;
	s1 =	sshra.s32 s1, $0x2  }
0xef: {  	s8 =	sand.u32 $0x70, s8;
	p3 =	por !p3, !p3;
	s0 =	sadd.s32 s0, s1  }
0xf0: {  	[tilespmem:s29+$0x0] =	vst v1;
	s1 =	sor.u32 s8, s0;
	s0 =	smov.u32 s7;
	s8 =	simm.s32 $0x1  }
0xf1: {  	s7 =	sshrl.u32 s11, $0x3;
	s8 =	simm.s32 @!p3 $0x0;
	v1 =	vld [tilespmem:s1+$0x0];
	s1 =	smov.u32 s10  }
.Ltmp15:
0xf2: {  	s6 =	ssub.s32 s4, s6;
	s7 =	ssub.s32 s7, s8;
	(pc) =	sbr.rel @p2 .LBB2_16-.Ltmp15, $4  }
0xf3: {  	s4 =	sadd.s32 $0x2, s4;
	s6 =	sshll.u32 s6, $0x4;
	s7 =	sshll.u32 s7, $0x9  }
0xf4: {  	s30 =	sadd.s32 $0x80, s30;
	s8 =	sand.u32 $0xFFFFFF80, s6;
	s7 =	sshra.s32 s7, $0x2  }
0xf5: {  	s29 =	sadd.s32 $0x80, s29;
	s10 =	sand.u32 $0x60, s6;
	s7 =	sadd.s32 s8, s7  }
0xf6: {  	s6 =	sor.u32 $0x1, s9;
	s9 =	sxor.u32 $0xFFFFFFFF, s9;
	s8 =	sor.u32 s10, s7;
	[tilespmem:s30+$0x0] =	vst v1  }
0xf7: {  	s4 =	smov.u32 s0;
	s31 =	smov.u32 s1  }
.LBB2_18:
0xf8: {  	s0 =	sshrl.u32 s9, $0x1F  }
0xf9: {  	s0 =	sadd.s32 s0, s4  }
0xfa: {  	s1 =	sadd.s32 s31, s6;
	p2 =	sne.s32 s0, $0x1;
	s0 =	simm.s32 $0x1  }
0xfb: {  	v1 =	vld [tilespmem:s8+$0x0];
	s1 =	sshra.s32 s1, $0x3;
	s0 =	simm.s32 @!p2 $0x0  }
0xfc: {  	s31 =	sshll.u32 s6, $0x4;
	s0 =	ssub.s32 s1, s0;
	s1 =	sshll.u32 s1, $0x7  }
0xfd: {  	s1 =	ssub.s32 s31, s1;
	s0 =	sshll.u32 s0, $0x9  }
0xfe: {  	s1 =	sand.u32 $0xFFFFFF80, s1;
	s0 =	sshra.s32 s0, $0x2  }
0xff: {  	s4 =	sand.u32 $0x70, s31;
	s0 =	sadd.s32 s1, s0  }
0x100: {  	[tilespmem:s29+$0x0] =	vst v1;
	s0 =	sor.u32 s4, s0  }
0x101: {  	s26 =	sadd.s32 $0x1, s26;
	v1 =	vld [tilespmem:s0+$0x0];
	s0 =	sadd.s32 @p1 $0x80, s30  }
0x102: {  	s28 =	smov.u32 @p1 s0;
	p1 =	sne.s32 s26, $0x4  }
.Ltmp16:
0x103: {  	_ = 	snop;
	(pc) =	sbr.rel @p1 .LBB2_12-.Ltmp16, $4  }
.Ltmp17:
0x104: {  	_ = 	snop;
	(pc) =	sbr.rel @!p1 .LBB2_19-.Ltmp17, $4  }
0x105: {  	_ = 	snop  }
0x106: {  	_ = 	snop  }
0x107: {  	s23 =	sadd.s32 $0x22, s23;
	s24 =	sadd.s32 $0x2800, s24;
	s25 =	sadd.s32 $0x2800, s25;
	[tilespmem:s28+$0x0] =	vst v1  }
0x108: {  	_ = 	snop  }
.LBB2_13:
.Ltmp18:
0x109: {  	(pc) =	sbr.rel .LBB2_18-.Ltmp18, $2  }
0x10a: {  	_ =	sdelay $0x2  }
0x10b: {  	s30 =	smov.u32 s28  }
.LBB2_15:
.Ltmp19:
0x10c: {  	(pc) =	sbr.rel .LBB2_18-.Ltmp19, $2  }
0x10d: {  	_ =	sdelay $0x2  }
0x10e: {  	s4 =	smov.u32 s0;
	s31 =	smov.u32 s1;
	s30 =	smov.u32 s28  }
.LBB2_21:
0x10f: {  	_ =	sfence.sel $0x180000  }
0x110: {  	[bflag:$0x0] =	sbarrier.arrive $0xFFFF  }
0x111: {  	_ =	strace $0x90000047  }
0x112: {  	s0 =	stileid.u32;
	[bflag:$0x2] =	sbarrier.arrive $0xFFFF  }
0x113: {  	p0 =	sne.s32 s0, $0x0;
	s0 =	rddreg [dreg:$0x2]  }
0x114: {  	s0 =	sadd.s32 @!p0 $0x100000, s0  }
0x115: {  	[sflag:s0] =	ssyncadd.tile.s32 @!p0 $0x1;
	_ =	shalt  }
.Lfunc_end2:
_tile_overlayer_lowered:
.L_overlay_start_2:
0x116: {  	(tag) =	ssettag $0x2  }
0x117: {  	s0 =	rddreg [dreg:$0x0];
	s2 =	stileid.u32  }
0x118: {  	s1 =	rddreg [dreg:$0x1];
	p0 =	sne.s32 s2, $0x0  }
0x119: {  	s3 =	rddreg [dreg:$0x2];
	[bflag:$0x3] =	sbarrier.arrive $0xFFFF;
	s2 =	simm.s32 @!p0 $0x1C03  }
0x11a: {  	[timem:s3], [sflag:s2] =	dma.local @!p0 [hbm:s0], s1  }
0x11b: {  	s0 =	simm.s32 @!p0 $0x3  }
0x11c: {  	_ =	swait.ge @!p0 [sflag:s0], s1  }
0x11d: {  	s1 =	ssub.s32 @!p0 $0x0, s1;
	[sflag:s0] =	ssyncset.done @!p0 $0x0  }
0x11e: {  	[sflag:s0] =	ssyncadd.s32 @!p0 s1  }
0x11f: {  	[bflag:$0x3] =	sbarrier.arrive $0xFFFF  }
0x120: {  	_ =	shalt  }

</sc_bundles>
